<compile_context>
chip_gen: v7x
topology: tpu7x:2x2x1
jax: 0.10.2.dev20260603
libtpu: 0.0.44.dev20260713+nightly
codegen_flags: <defaults>
</compile_context>

<pallas_src>
import functools

import jax
import jax.numpy as jnp
from jax import lax
from jax.experimental import pallas as pl
from jax.experimental.pallas import tpu as pltpu
from jax.experimental.pallas import tpu_sc as plsc

B = 16384
D = 5120
V = 9
NC = 2
NS = 16
NW = NC * NS
BPW = B // NW
L = 16
NCHUNK = BPW // L


def _embed_lookup(aspect_ratio_ids, embedding_table):
    mesh = plsc.VectorSubcoreMesh(core_axis_name="c", subcore_axis_name="s")

    @functools.partial(
        pl.kernel,
        mesh=mesh,
        out_type=jax.ShapeDtypeStruct((B, D), jnp.float32),
        compiler_params=pltpu.CompilerParams(needs_layout_passes=False),
        scratch_types=[
            pltpu.VMEM((BPW,), jnp.int32),
            pltpu.VMEM((V, D), jnp.float32),
            [pltpu.SemaphoreType.DMA] * L,
        ],
    )
    def k(idx_hbm, table_hbm, out_hbm, idx_v, table_v, sems):
        cid = lax.axis_index("c")
        sid = lax.axis_index("s")
        wid = sid * NC + cid
        base = wid * BPW

        pltpu.sync_copy(idx_hbm.at[pl.ds(base, BPW)], idx_v)
        pltpu.sync_copy(table_hbm, table_v)

        lane = lax.iota(jnp.int32, L)
        zero = lane * 0

        def row_copy(row, g, q):
            return pltpu.make_async_copy(
                table_v.at[row], out_hbm.at[base + g], sems[q]
            )

        def body(c, carry):
            chunk = idx_v[pl.ds(c * L, L)]
            for e in range(L):
                row = lax.reduce_sum(
                    lax.select(lane == e, chunk, zero), axes=(0,)
                )
                g = c * L + e

                @pl.when(c > 0)
                def _drain():
                    row_copy(0, g - L, e).wait()

                row_copy(row, g, e).start()
            return carry

        lax.fori_loop(0, NCHUNK, body, 0)
        for e in range(L):
            row_copy(0, BPW - L + e, e).wait()

    return k(aspect_ratio_ids, embedding_table)


def kernel(aspect_ratio_ids, embedding_table):
    ids = aspect_ratio_ids.astype(jnp.int32)
    return _embed_lookup(ids, embedding_table)

# --- scband reference (transcript-rebuilt; emitter-appended) ---
"""Pipeline reference for scband-mllama-precomputed-aspect-ratio-embedding-81965155877558 (READ-ONLY COPY).

The authoritative reference and input builder live on the scoring server;
editing this copy changes nothing except your own understanding.
"""

import jax, jax.numpy as jnp
import numpy as np

NUM_ASPECT_RATIOS = 9
EMBEDDING_DIM = 5120
BATCH = 16384


def setup_inputs(seed: int = 0) -> dict:
    key = jax.random.key(seed)
    k_ids, k_tab = jax.random.split(key)
    aspect_ratio_ids = jax.random.randint(k_ids, (BATCH,), 0, NUM_ASPECT_RATIOS, dtype=jnp.int64 if jax.config.jax_enable_x64 else jnp.int32)
    embedding_table = jax.random.normal(k_tab, (NUM_ASPECT_RATIOS, EMBEDDING_DIM), dtype=jnp.float32)
    return {"aspect_ratio_ids": aspect_ratio_ids, "embedding_table": embedding_table}


def reference(aspect_ratio_ids, embedding_table):
    # nn.Embedding forward: gather rows of the table by index
    return jnp.take(embedding_table, aspect_ratio_ids, axis=0)

if __name__ == "__main__":
    import jax
    _d = setup_inputs()
    print(jax.jit(kernel)(*tuple(_d.values())))

</pallas_src>

<mosaic_0001>
#map = affine_map<(d0, d1) -> (0)>
#map1 = affine_map<(d0, d1) -> (0, 0)>
module attributes {stable_mosaic.version = 14 : i64} {
  func.func @k(%arg0: i32, %arg1: i32, %arg2: memref<16384xi32, #tpu.memory_space<hbm>>, %arg3: memref<9x5120xf32, #tpu.memory_space<hbm>>, %arg4: memref<16384x5120xf32, #tpu.memory_space<hbm>>, %arg5: memref<512xi32, #tpu.memory_space<vmem>>, %arg6: memref<9x5120xf32, #tpu.memory_space<vmem>>, %arg7: memref<!tpu.dma_semaphore, #tpu.memory_space<semaphore_mem>>, %arg8: memref<!tpu.dma_semaphore, #tpu.memory_space<semaphore_mem>>, %arg9: memref<!tpu.dma_semaphore, #tpu.memory_space<semaphore_mem>>, %arg10: memref<!tpu.dma_semaphore, #tpu.memory_space<semaphore_mem>>, %arg11: memref<!tpu.dma_semaphore, #tpu.memory_space<semaphore_mem>>, %arg12: memref<!tpu.dma_semaphore, #tpu.memory_space<semaphore_mem>>, %arg13: memref<!tpu.dma_semaphore, #tpu.memory_space<semaphore_mem>>, %arg14: memref<!tpu.dma_semaphore, #tpu.memory_space<semaphore_mem>>, %arg15: memref<!tpu.dma_semaphore, #tpu.memory_space<semaphore_mem>>, %arg16: memref<!tpu.dma_semaphore, #tpu.memory_space<semaphore_mem>>, %arg17: memref<!tpu.dma_semaphore, #tpu.memory_space<semaphore_mem>>, %arg18: memref<!tpu.dma_semaphore, #tpu.memory_space<semaphore_mem>>, %arg19: memref<!tpu.dma_semaphore, #tpu.memory_space<semaphore_mem>>, %arg20: memref<!tpu.dma_semaphore, #tpu.memory_space<semaphore_mem>>, %arg21: memref<!tpu.dma_semaphore, #tpu.memory_space<semaphore_mem>>, %arg22: memref<!tpu.dma_semaphore, #tpu.memory_space<semaphore_mem>>) attributes {dimension_semantics = [#tpu.dimension_semantics<core_parallel>, #tpu.dimension_semantics<subcore_parallel>], iteration_bounds = array<i64: 2, 16>, scalar_prefetch = 0 : i64, scratch_operands = 18 : i64, tpu.core_type = #tpu.core_type<sc_vector_subcore>, window_params = [{transform_indices = #map}, {transform_indices = #map1}, {transform_indices = #map1}]} {
    %mul3A = arith.constant 2 : i32
    %mul3A_0 = arith.muli %arg1, %mul3A : i32
    %add3A = arith.addi %mul3A_0, %arg0 : i32
    %mul3A_1 = arith.constant 512 : i32
    %mul3A_2 = arith.muli %add3A, %mul3A_1 : i32
    "tpu.region"() ({
      %run_scoped3A = tpu.sem_alloc : memref<!tpu.dma_semaphore, #tpu.memory_space<semaphore_mem>>
      %dma_start3A = tpu.memref_slice %arg2[%mul3A_2] : memref<16384xi32, #tpu.memory_space<hbm>> -> memref<512xi32, #tpu.memory_space<hbm>>
      %dma_start3A_250 = tpu.memref_slice %arg2[%mul3A_2] : memref<16384xi32, #tpu.memory_space<hbm>> -> memref<512xi32, #tpu.memory_space<hbm>>
      tpu.enqueue_dma source(%dma_start3A_250 : memref<512xi32, #tpu.memory_space<hbm>>) target(%arg5 : memref<512xi32, #tpu.memory_space<vmem>>) target_semaphore(%run_scoped3A : memref<!tpu.dma_semaphore, #tpu.memory_space<semaphore_mem>>)
      %dma_wait3A_251 = tpu.memref_slice %arg2[%mul3A_2] : memref<16384xi32, #tpu.memory_space<hbm>> -> memref<512xi32, #tpu.memory_space<hbm>>
      %dma_wait3A_252 = tpu.memref_slice %arg2[%mul3A_2] : memref<16384xi32, #tpu.memory_space<hbm>> -> memref<512xi32, #tpu.memory_space<hbm>>
      tpu.wait_dma2 semaphore(%run_scoped3A : memref<!tpu.dma_semaphore, #tpu.memory_space<semaphore_mem>>) src(%dma_wait3A_252 : memref<512xi32, #tpu.memory_space<hbm>>) dst(%arg5 : memref<512xi32, #tpu.memory_space<vmem>>)
      tpu.yield
    }) : () -> ()
    "tpu.region"() ({
      %run_scoped3A = tpu.sem_alloc : memref<!tpu.dma_semaphore, #tpu.memory_space<semaphore_mem>>
      tpu.enqueue_dma source(%arg3 : memref<9x5120xf32, #tpu.memory_space<hbm>>) target(%arg6 : memref<9x5120xf32, #tpu.memory_space<vmem>>) target_semaphore(%run_scoped3A : memref<!tpu.dma_semaphore, #tpu.memory_space<semaphore_mem>>)
      tpu.wait_dma2 semaphore(%run_scoped3A : memref<!tpu.dma_semaphore, #tpu.memory_space<semaphore_mem>>) src(%arg3 : memref<9x5120xf32, #tpu.memory_space<hbm>>) dst(%arg6 : memref<9x5120xf32, #tpu.memory_space<vmem>>)
      tpu.yield
    }) : () -> ()
    %iota3A = tpu.iota {dimensions = array<i32: 0>} : vector<16xi32>
    %mul3A_3 = arith.constant 0 : i32
    %mul3A_4 = vector.broadcast %mul3A_3 : i32 to vector<16xi32>
    %mul3A_5 = arith.muli %iota3A, %mul3A_4 : vector<16xi32>
    %scan3A = arith.constant 0 : i32
    %scan3A_6 = arith.constant 0 : i32
    %scan3A_7 = arith.constant 32 : i32
    %scan3A_8 = arith.addi %scan3A_6, %scan3A_7 : i32
    %scan3A_9 = arith.constant 1 : i32
    scf.for %scan3A_250 = %scan3A_6 to %scan3A_8 step %scan3A_9  : i32 {
      %mul3A_251 = arith.constant 16 : i32
      %mul3A_252 = arith.muli %scan3A_250, %mul3A_251 : i32
      %get3A = arith.index_cast %mul3A_252 : i32 to index
      %get3A_253 = tpu.vector_load %arg5[%get3A] {strides = array<i32>} : memref<512xi32, #tpu.memory_space<vmem>>, vector<16xi32>,
      %eq3A = arith.constant 0 : i32
      %eq3A_254 = vector.broadcast %eq3A : i32 to vector<16xi32>
      %eq3A_255 = arith.cmpi eq, %iota3A, %eq3A_254 : vector<16xi32>
      %select_n3A = arith.select %eq3A_255, %get3A_253, %mul3A_5 : vector<16xi1>, vector<16xi32>
      %reduce_sum3A = arith.constant true
      %reduce_sum3A_256 = vector.broadcast %reduce_sum3A : i1 to vector<16xi1>
      %reduce_sum3A_257 = tpu.scan <sum>, %select_n3A masked %reduce_sum3A_256 : vector<16xi32>, vector<16xi1> -> vector<16xi32>
      %reduce_sum3A_258 = vector.extract %reduce_sum3A_257[15] : i32 from vector<16xi32>
      %mul3A_259 = arith.constant 16 : i32
      %mul3A_260 = arith.muli %scan3A_250, %mul3A_259 : i32
      %add3A_261 = arith.constant 0 : i32
      %add3A_262 = arith.addi %mul3A_260, %add3A_261 : i32
      %gt3A = arith.constant 0 : i32
      %gt3A_263 = arith.cmpi sgt, %scan3A_250, %gt3A : i32
      %convert_element_type3A = arith.extui %gt3A_263 : i1 to i32
      %cond3A = arith.constant 0 : i32
      %cond3A_264 = arith.cmpi ne, %convert_element_type3A, %cond3A : i32
      scf.if %cond3A_264 {
        %sub3A = arith.constant 16 : i32
        %sub3A_727 = arith.subi %add3A_262, %sub3A : i32
        %add3A_728 = arith.addi %mul3A_2, %sub3A_727 : i32
        %dma_wait3A_729 = arith.constant 0 : i32
        %dma_wait3A_730 = arith.constant 0 : i32
        %dma_wait3A_731 = tpu.memref_slice %arg6[%dma_wait3A_729, %dma_wait3A_730] : memref<9x5120xf32, #tpu.memory_space<vmem>> -> memref<1x5120xf32, #tpu.memory_space<vmem>>
        %dma_wait3A_732 = tpu.memref_squeeze %dma_wait3A_731 : memref<1x5120xf32, #tpu.memory_space<vmem>> -> memref<5120xf32, #tpu.memory_space<vmem>>
        %dma_wait3A_733 = arith.constant 0 : i32
        %dma_wait3A_734 = tpu.memref_slice %arg4[%add3A_728, %dma_wait3A_733] : memref<16384x5120xf32, #tpu.memory_space<hbm>> -> memref<1x5120xf32, #tpu.memory_space<hbm>>
        %dma_wait3A_735 = tpu.memref_squeeze %dma_wait3A_734 : memref<1x5120xf32, #tpu.memory_space<hbm>> -> memref<5120xf32, #tpu.memory_space<hbm>>
        %dma_wait3A_736 = arith.constant 0 : i32
        %dma_wait3A_737 = tpu.memref_slice %arg4[%add3A_728, %dma_wait3A_736] : memref<16384x5120xf32, #tpu.memory_space<hbm>> -> memref<1x5120xf32, #tpu.memory_space<hbm>>
        %dma_wait3A_738 = tpu.memref_squeeze %dma_wait3A_737 : memref<1x5120xf32, #tpu.memory_space<hbm>> -> memref<5120xf32, #tpu.memory_space<hbm>>
        %dma_wait3A_739 = arith.constant 0 : i32
        %dma_wait3A_740 = tpu.memref_slice %arg6[%dma_wait3A_729, %dma_wait3A_739] : memref<9x5120xf32, #tpu.memory_space<vmem>> -> memref<1x5120xf32, #tpu.memory_space<vmem>>
        %dma_wait3A_741 = tpu.memref_squeeze %dma_wait3A_740 : memref<1x5120xf32, #tpu.memory_space<vmem>> -> memref<5120xf32, #tpu.memory_space<vmem>>
        tpu.wait_dma2 semaphore(%arg7 : memref<!tpu.dma_semaphore, #tpu.memory_space<semaphore_mem>>) src(%dma_wait3A_741 : memref<5120xf32, #tpu.memory_space<vmem>>) dst(%dma_wait3A_738 : memref<5120xf32, #tpu.memory_space<hbm>>)
      } else {
      }
      %add3A_265 = arith.addi %mul3A_2, %add3A_262 : i32
      %dma_start3A = arith.constant 0 : i32
      %dma_start3A_266 = tpu.memref_slice %arg6[%reduce_sum3A_258, %dma_start3A] : memref<9x5120xf32, #tpu.memory_space<vmem>> -> memref<1x5120xf32, #tpu.memory_space<vmem>>
      %dma_start3A_267 = tpu.memref_squeeze %dma_start3A_266 : memref<1x5120xf32, #tpu.memory_space<vmem>> -> memref<5120xf32, #tpu.memory_space<vmem>>
      %dma_start3A_268 = arith.constant 0 : i32
      %dma_start3A_269 = tpu.memref_slice %arg4[%add3A_265, %dma_start3A_268] : memref<16384x5120xf32, #tpu.memory_space<hbm>> -> memref<1x5120xf32, #tpu.memory_space<hbm>>
      %dma_start3A_270 = tpu.memref_squeeze %dma_start3A_269 : memref<1x5120xf32, #tpu.memory_space<hbm>> -> memref<5120xf32, #tpu.memory_space<hbm>>
      %dma_start3A_271 = arith.constant 0 : i32
      %dma_start3A_272 = tpu.memref_slice %arg4[%add3A_265, %dma_start3A_271] : memref<16384x5120xf32, #tpu.memory_space<hbm>> -> memref<1x5120xf32, #tpu.memory_space<hbm>>
      %dma_start3A_273 = tpu.memref_squeeze %dma_start3A_272 : memref<1x5120xf32, #tpu.memory_space<hbm>> -> memref<5120xf32, #tpu.memory_space<hbm>>
      %dma_start3A_274 = arith.constant 0 : i32
      %dma_start3A_275 = tpu.memref_slice %arg6[%reduce_sum3A_258, %dma_start3A_274] : memref<9x5120xf32, #tpu.memory_space<vmem>> -> memref<1x5120xf32, #tpu.memory_space<vmem>>
      %dma_start3A_276 = tpu.memref_squeeze %dma_start3A_275 : memref<1x5120xf32, #tpu.memory_space<vmem>> -> memref<5120xf32, #tpu.memory_space<vmem>>
      tpu.enqueue_dma source(%dma_start3A_276 : memref<5120xf32, #tpu.memory_space<vmem>>) target(%dma_start3A_273 : memref<5120xf32, #tpu.memory_space<hbm>>) target_semaphore(%arg7 : memref<!tpu.dma_semaphore, #tpu.memory_space<semaphore_mem>>)
      %eq3A_277 = arith.constant 1 : i32
      %eq3A_278 = vector.broadcast %eq3A_277 : i32 to vector<16xi32>
      %eq3A_279 = arith.cmpi eq, %iota3A, %eq3A_278 : vector<16xi32>
      %select_n3A_280 = arith.select %eq3A_279, %get3A_253, %mul3A_5 : vector<16xi1>, vector<16xi32>
      %reduce_sum3A_281 = arith.constant true
      %reduce_sum3A_282 = vector.broadcast %reduce_sum3A_281 : i1 to vector<16xi1>
      %reduce_sum3A_283 = tpu.scan <sum>, %select_n3A_280 masked %reduce_sum3A_282 : vector<16xi32>, vector<16xi1> -> vector<16xi32>
      %reduce_sum3A_284 = vector.extract %reduce_sum3A_283[15] : i32 from vector<16xi32>
      %mul3A_285 = arith.constant 16 : i32
      %mul3A_286 = arith.muli %scan3A_250, %mul3A_285 : i32
      %add3A_287 = arith.constant 1 : i32
      %add3A_288 = arith.addi %mul3A_286, %add3A_287 : i32
      %gt3A_289 = arith.constant 0 : i32
      %gt3A_290 = arith.cmpi sgt, %scan3A_250, %gt3A_289 : i32
      %convert_element_type3A_291 = arith.extui %gt3A_290 : i1 to i32
      %cond3A_292 = arith.constant 0 : i32
      %cond3A_293 = arith.cmpi ne, %convert_element_type3A_291, %cond3A_292 : i32
      scf.if %cond3A_293 {
        %sub3A = arith.constant 16 : i32
        %sub3A_727 = arith.subi %add3A_288, %sub3A : i32
        %add3A_728 = arith.addi %mul3A_2, %sub3A_727 : i32
        %dma_wait3A_729 = arith.constant 0 : i32
        %dma_wait3A_730 = arith.constant 0 : i32
        %dma_wait3A_731 = tpu.memref_slice %arg6[%dma_wait3A_729, %dma_wait3A_730] : memref<9x5120xf32, #tpu.memory_space<vmem>> -> memref<1x5120xf32, #tpu.memory_space<vmem>>
        %dma_wait3A_732 = tpu.memref_squeeze %dma_wait3A_731 : memref<1x5120xf32, #tpu.memory_space<vmem>> -> memref<5120xf32, #tpu.memory_space<vmem>>
        %dma_wait3A_733 = arith.constant 0 : i32
        %dma_wait3A_734 = tpu.memref_slice %arg4[%add3A_728, %dma_wait3A_733] : memref<16384x5120xf32, #tpu.memory_space<hbm>> -> memref<1x5120xf32, #tpu.memory_space<hbm>>
        %dma_wait3A_735 = tpu.memref_squeeze %dma_wait3A_734 : memref<1x5120xf32, #tpu.memory_space<hbm>> -> memref<5120xf32, #tpu.memory_space<hbm>>
        %dma_wait3A_736 = arith.constant 0 : i32
        %dma_wait3A_737 = tpu.memref_slice %arg4[%add3A_728, %dma_wait3A_736] : memref<16384x5120xf32, #tpu.memory_space<hbm>> -> memref<1x5120xf32, #tpu.memory_space<hbm>>
        %dma_wait3A_738 = tpu.memref_squeeze %dma_wait3A_737 : memref<1x5120xf32, #tpu.memory_space<hbm>> -> memref<5120xf32, #tpu.memory_space<hbm>>
        %dma_wait3A_739 = arith.constant 0 : i32
        %dma_wait3A_740 = tpu.memref_slice %arg6[%dma_wait3A_729, %dma_wait3A_739] : memref<9x5120xf32, #tpu.memory_space<vmem>> -> memref<1x5120xf32, #tpu.memory_space<vmem>>
        %dma_wait3A_741 = tpu.memref_squeeze %dma_wait3A_740 : memref<1x5120xf32, #tpu.memory_space<vmem>> -> memref<5120xf32, #tpu.memory_space<vmem>>
        tpu.wait_dma2 semaphore(%arg8 : memref<!tpu.dma_semaphore, #tpu.memory_space<semaphore_mem>>) src(%dma_wait3A_741 : memref<5120xf32, #tpu.memory_space<vmem>>) dst(%dma_wait3A_738 : memref<5120xf32, #tpu.memory_space<hbm>>)
      } else {
      }
      %add3A_294 = arith.addi %mul3A_2, %add3A_288 : i32
      %dma_start3A_295 = arith.constant 0 : i32
      %dma_start3A_296 = tpu.memref_slice %arg6[%reduce_sum3A_284, %dma_start3A_295] : memref<9x5120xf32, #tpu.memory_space<vmem>> -> memref<1x5120xf32, #tpu.memory_space<vmem>>
      %dma_start3A_297 = tpu.memref_squeeze %dma_start3A_296 : memref<1x5120xf32, #tpu.memory_space<vmem>> -> memref<5120xf32, #tpu.memory_space<vmem>>
      %dma_start3A_298 = arith.constant 0 : i32
      %dma_start3A_299 = tpu.memref_slice %arg4[%add3A_294, %dma_start3A_298] : memref<16384x5120xf32, #tpu.memory_space<hbm>> -> memref<1x5120xf32, #tpu.memory_space<hbm>>
      %dma_start3A_300 = tpu.memref_squeeze %dma_start3A_299 : memref<1x5120xf32, #tpu.memory_space<hbm>> -> memref<5120xf32, #tpu.memory_space<hbm>>
      %dma_start3A_301 = arith.constant 0 : i32
      %dma_start3A_302 = tpu.memref_slice %arg4[%add3A_294, %dma_start3A_301] : memref<16384x5120xf32, #tpu.memory_space<hbm>> -> memref<1x5120xf32, #tpu.memory_space<hbm>>
      %dma_start3A_303 = tpu.memref_squeeze %dma_start3A_302 : memref<1x5120xf32, #tpu.memory_space<hbm>> -> memref<5120xf32, #tpu.memory_space<hbm>>
      %dma_start3A_304 = arith.constant 0 : i32
      %dma_start3A_305 = tpu.memref_slice %arg6[%reduce_sum3A_284, %dma_start3A_304] : memref<9x5120xf32, #tpu.memory_space<vmem>> -> memref<1x5120xf32, #tpu.memory_space<vmem>>
      %dma_start3A_306 = tpu.memref_squeeze %dma_start3A_305 : memref<1x5120xf32, #tpu.memory_space<vmem>> -> memref<5120xf32, #tpu.memory_space<vmem>>
      tpu.enqueue_dma source(%dma_start3A_306 : memref<5120xf32, #tpu.memory_space<vmem>>) target(%dma_start3A_303 : memref<5120xf32, #tpu.memory_space<hbm>>) target_semaphore(%arg8 : memref<!tpu.dma_semaphore, #tpu.memory_space<semaphore_mem>>)
      %eq3A_307 = arith.constant 2 : i32
      %eq3A_308 = vector.broadcast %eq3A_307 : i32 to vector<16xi32>
      %eq3A_309 = arith.cmpi eq, %iota3A, %eq3A_308 : vector<16xi32>
      %select_n3A_310 = arith.select %eq3A_309, %get3A_253, %mul3A_5 : vector<16xi1>, vector<16xi32>
      %reduce_sum3A_311 = arith.constant true
      %reduce_sum3A_312 = vector.broadcast %reduce_sum3A_311 : i1 to vector<16xi1>
      %reduce_sum3A_313 = tpu.scan <sum>, %select_n3A_310 masked %reduce_sum3A_312 : vector<16xi32>, vector<16xi1> -> vector<16xi32>
      %reduce_sum3A_314 = vector.extract %reduce_sum3A_313[15] : i32 from vector<16xi32>
      %mul3A_315 = arith.constant 16 : i32
      %mul3A_316 = arith.muli %scan3A_250, %mul3A_315 : i32
      %add3A_317 = arith.constant 2 : i32
      %add3A_318 = arith.addi %mul3A_316, %add3A_317 : i32
      %gt3A_319 = arith.constant 0 : i32
      %gt3A_320 = arith.cmpi sgt, %scan3A_250, %gt3A_319 : i32
      %convert_element_type3A_321 = arith.extui %gt3A_320 : i1 to i32
      %cond3A_322 = arith.constant 0 : i32
      %cond3A_323 = arith.cmpi ne, %convert_element_type3A_321, %cond3A_322 : i32
      scf.if %cond3A_323 {
        %sub3A = arith.constant 16 : i32
        %sub3A_727 = arith.subi %add3A_318, %sub3A : i32
        %add3A_728 = arith.addi %mul3A_2, %sub3A_727 : i32
        %dma_wait3A_729 = arith.constant 0 : i32
        %dma_wait3A_730 = arith.constant 0 : i32
        %dma_wait3A_731 = tpu.memref_slice %arg6[%dma_wait3A_729, %dma_wait3A_730] : memref<9x5120xf32, #tpu.memory_space<vmem>> -> memref<1x5120xf32, #tpu.memory_space<vmem>>
        %dma_wait3A_732 = tpu.memref_squeeze %dma_wait3A_731 : memref<1x5120xf32, #tpu.memory_space<vmem>> -> memref<5120xf32, #tpu.memory_space<vmem>>
        %dma_wait3A_733 = arith.constant 0 : i32
        %dma_wait3A_734 = tpu.memref_slice %arg4[%add3A_728, %dma_wait3A_733] : memref<16384x5120xf32, #tpu.memory_space<hbm>> -> memref<1x5120xf32, #tpu.memory_space<hbm>>
        %dma_wait3A_735 = tpu.memref_squeeze %dma_wait3A_734 : memref<1x5120xf32, #tpu.memory_space<hbm>> -> memref<5120xf32, #tpu.memory_space<hbm>>
        %dma_wait3A_736 = arith.constant 0 : i32
        %dma_wait3A_737 = tpu.memref_slice %arg4[%add3A_728, %dma_wait3A_736] : memref<16384x5120xf32, #tpu.memory_space<hbm>> -> memref<1x5120xf32, #tpu.memory_space<hbm>>
        %dma_wait3A_738 = tpu.memref_squeeze %dma_wait3A_737 : memref<1x5120xf32, #tpu.memory_space<hbm>> -> memref<5120xf32, #tpu.memory_space<hbm>>
        %dma_wait3A_739 = arith.constant 0 : i32
        %dma_wait3A_740 = tpu.memref_slice %arg6[%dma_wait3A_729, %dma_wait3A_739] : memref<9x5120xf32, #tpu.memory_space<vmem>> -> memref<1x5120xf32, #tpu.memory_space<vmem>>
        %dma_wait3A_741 = tpu.memref_squeeze %dma_wait3A_740 : memref<1x5120xf32, #tpu.memory_space<vmem>> -> memref<5120xf32, #tpu.memory_space<vmem>>
        tpu.wait_dma2 semaphore(%arg9 : memref<!tpu.dma_semaphore, #tpu.memory_space<semaphore_mem>>) src(%dma_wait3A_741 : memref<5120xf32, #tpu.memory_space<vmem>>) dst(%dma_wait3A_738 : memref<5120xf32, #tpu.memory_space<hbm>>)
      } else {
      }
      %add3A_324 = arith.addi %mul3A_2, %add3A_318 : i32
      %dma_start3A_325 = arith.constant 0 : i32
      %dma_start3A_326 = tpu.memref_slice %arg6[%reduce_sum3A_314, %dma_start3A_325] : memref<9x5120xf32, #tpu.memory_space<vmem>> -> memref<1x5120xf32, #tpu.memory_space<vmem>>
      %dma_start3A_327 = tpu.memref_squeeze %dma_start3A_326 : memref<1x5120xf32, #tpu.memory_space<vmem>> -> memref<5120xf32, #tpu.memory_space<vmem>>
      %dma_start3A_328 = arith.constant 0 : i32
      %dma_start3A_329 = tpu.memref_slice %arg4[%add3A_324, %dma_start3A_328] : memref<16384x5120xf32, #tpu.memory_space<hbm>> -> memref<1x5120xf32, #tpu.memory_space<hbm>>
      %dma_start3A_330 = tpu.memref_squeeze %dma_start3A_329 : memref<1x5120xf32, #tpu.memory_space<hbm>> -> memref<5120xf32, #tpu.memory_space<hbm>>
      %dma_start3A_331 = arith.constant 0 : i32
      %dma_start3A_332 = tpu.memref_slice %arg4[%add3A_324, %dma_start3A_331] : memref<16384x5120xf32, #tpu.memory_space<hbm>> -> memref<1x5120xf32, #tpu.memory_space<hbm>>
      %dma_start3A_333 = tpu.memref_squeeze %dma_start3A_332 : memref<1x5120xf32, #tpu.memory_space<hbm>> -> memref<5120xf32, #tpu.memory_space<hbm>>
      %dma_start3A_334 = arith.constant 0 : i32
      %dma_start3A_335 = tpu.memref_slice %arg6[%reduce_sum3A_314, %dma_start3A_334] : memref<9x5120xf32, #tpu.memory_space<vmem>> -> memref<1x5120xf32, #tpu.memory_space<vmem>>
      %dma_start3A_336 = tpu.memref_squeeze %dma_start3A_335 : memref<1x5120xf32, #tpu.memory_space<vmem>> -> memref<5120xf32, #tpu.memory_space<vmem>>
      tpu.enqueue_dma source(%dma_start3A_336 : memref<5120xf32, #tpu.memory_space<vmem>>) target(%dma_start3A_333 : memref<5120xf32, #tpu.memory_space<hbm>>) target_semaphore(%arg9 : memref<!tpu.dma_semaphore, #tpu.memory_space<semaphore_mem>>)
      %eq3A_337 = arith.constant 3 : i32
      %eq3A_338 = vector.broadcast %eq3A_337 : i32 to vector<16xi32>
      %eq3A_339 = arith.cmpi eq, %iota3A, %eq3A_338 : vector<16xi32>
      %select_n3A_340 = arith.select %eq3A_339, %get3A_253, %mul3A_5 : vector<16xi1>, vector<16xi32>
      %reduce_sum3A_341 = arith.constant true
      %reduce_sum3A_342 = vector.broadcast %reduce_sum3A_341 : i1 to vector<16xi1>
      %reduce_sum3A_343 = tpu.scan <sum>, %select_n3A_340 masked %reduce_sum3A_342 : vector<16xi32>, vector<16xi1> -> vector<16xi32>
      %reduce_sum3A_344 = vector.extract %reduce_sum3A_343[15] : i32 from vector<16xi32>
      %mul3A_345 = arith.constant 16 : i32
      %mul3A_346 = arith.muli %scan3A_250, %mul3A_345 : i32
      %add3A_347 = arith.constant 3 : i32
      %add3A_348 = arith.addi %mul3A_346, %add3A_347 : i32
      %gt3A_349 = arith.constant 0 : i32
      %gt3A_350 = arith.cmpi sgt, %scan3A_250, %gt3A_349 : i32
      %convert_element_type3A_351 = arith.extui %gt3A_350 : i1 to i32
      %cond3A_352 = arith.constant 0 : i32
      %cond3A_353 = arith.cmpi ne, %convert_element_type3A_351, %cond3A_352 : i32
      scf.if %cond3A_353 {
        %sub3A = arith.constant 16 : i32
        %sub3A_727 = arith.subi %add3A_348, %sub3A : i32
        %add3A_728 = arith.addi %mul3A_2, %sub3A_727 : i32
        %dma_wait3A_729 = arith.constant 0 : i32
        %dma_wait3A_730 = arith.constant 0 : i32
        %dma_wait3A_731 = tpu.memref_slice %arg6[%dma_wait3A_729, %dma_wait3A_730] : memref<9x5120xf32, #tpu.memory_space<vmem>> -> memref<1x5120xf32, #tpu.memory_space<vmem>>
        %dma_wait3A_732 = tpu.memref_squeeze %dma_wait3A_731 : memref<1x5120xf32, #tpu.memory_space<vmem>> -> memref<5120xf32, #tpu.memory_space<vmem>>
        %dma_wait3A_733 = arith.constant 0 : i32
        %dma_wait3A_734 = tpu.memref_slice %arg4[%add3A_728, %dma_wait3A_733] : memref<16384x5120xf32, #tpu.memory_space<hbm>> -> memref<1x5120xf32, #tpu.memory_space<hbm>>
        %dma_wait3A_735 = tpu.memref_squeeze %dma_wait3A_734 : memref<1x5120xf32, #tpu.memory_space<hbm>> -> memref<5120xf32, #tpu.memory_space<hbm>>
        %dma_wait3A_736 = arith.constant 0 : i32
        %dma_wait3A_737 = tpu.memref_slice %arg4[%add3A_728, %dma_wait3A_736] : memref<16384x5120xf32, #tpu.memory_space<hbm>> -> memref<1x5120xf32, #tpu.memory_space<hbm>>
        %dma_wait3A_738 = tpu.memref_squeeze %dma_wait3A_737 : memref<1x5120xf32, #tpu.memory_space<hbm>> -> memref<5120xf32, #tpu.memory_space<hbm>>
        %dma_wait3A_739 = arith.constant 0 : i32
        %dma_wait3A_740 = tpu.memref_slice %arg6[%dma_wait3A_729, %dma_wait3A_739] : memref<9x5120xf32, #tpu.memory_space<vmem>> -> memref<1x5120xf32, #tpu.memory_space<vmem>>
        %dma_wait3A_741 = tpu.memref_squeeze %dma_wait3A_740 : memref<1x5120xf32, #tpu.memory_space<vmem>> -> memref<5120xf32, #tpu.memory_space<vmem>>
        tpu.wait_dma2 semaphore(%arg10 : memref<!tpu.dma_semaphore, #tpu.memory_space<semaphore_mem>>) src(%dma_wait3A_741 : memref<5120xf32, #tpu.memory_space<vmem>>) dst(%dma_wait3A_738 : memref<5120xf32, #tpu.memory_space<hbm>>)
      } else {
      }
      %add3A_354 = arith.addi %mul3A_2, %add3A_348 : i32
      %dma_start3A_355 = arith.constant 0 : i32
      %dma_start3A_356 = tpu.memref_slice %arg6[%reduce_sum3A_344, %dma_start3A_355] : memref<9x5120xf32, #tpu.memory_space<vmem>> -> memref<1x5120xf32, #tpu.memory_space<vmem>>
      %dma_start3A_357 = tpu.memref_squeeze %dma_start3A_356 : memref<1x5120xf32, #tpu.memory_space<vmem>> -> memref<5120xf32, #tpu.memory_space<vmem>>
      %dma_start3A_358 = arith.constant 0 : i32
      %dma_start3A_359 = tpu.memref_slice %arg4[%add3A_354, %dma_start3A_358] : memref<16384x5120xf32, #tpu.memory_space<hbm>> -> memref<1x5120xf32, #tpu.memory_space<hbm>>
      %dma_start3A_360 = tpu.memref_squeeze %dma_start3A_359 : memref<1x5120xf32, #tpu.memory_space<hbm>> -> memref<5120xf32, #tpu.memory_space<hbm>>
      %dma_start3A_361 = arith.constant 0 : i32
      %dma_start3A_362 = tpu.memref_slice %arg4[%add3A_354, %dma_start3A_361] : memref<16384x5120xf32, #tpu.memory_space<hbm>> -> memref<1x5120xf32, #tpu.memory_space<hbm>>
      %dma_start3A_363 = tpu.memref_squeeze %dma_start3A_362 : memref<1x5120xf32, #tpu.memory_space<hbm>> -> memref<5120xf32, #tpu.memory_space<hbm>>
      %dma_start3A_364 = arith.constant 0 : i32
      %dma_start3A_365 = tpu.memref_slice %arg6[%reduce_sum3A_344, %dma_start3A_364] : memref<9x5120xf32, #tpu.memory_space<vmem>> -> memref<1x5120xf32, #tpu.memory_space<vmem>>
      %dma_start3A_366 = tpu.memref_squeeze %dma_start3A_365 : memref<1x5120xf32, #tpu.memory_space<vmem>> -> memref<5120xf32, #tpu.memory_space<vmem>>
      tpu.enqueue_dma source(%dma_start3A_366 : memref<5120xf32, #tpu.memory_space<vmem>>) target(%dma_start3A_363 : memref<5120xf32, #tpu.memory_space<hbm>>) target_semaphore(%arg10 : memref<!tpu.dma_semaphore, #tpu.memory_space<semaphore_mem>>)
      %eq3A_367 = arith.constant 4 : i32
      %eq3A_368 = vector.broadcast %eq3A_367 : i32 to vector<16xi32>
      %eq3A_369 = arith.cmpi eq, %iota3A, %eq3A_368 : vector<16xi32>
      %select_n3A_370 = arith.select %eq3A_369, %get3A_253, %mul3A_5 : vector<16xi1>, vector<16xi32>
      %reduce_sum3A_371 = arith.constant true
      %reduce_sum3A_372 = vector.broadcast %reduce_sum3A_371 : i1 to vector<16xi1>
      %reduce_sum3A_373 = tpu.scan <sum>, %select_n3A_370 masked %reduce_sum3A_372 : vector<16xi32>, vector<16xi1> -> vector<16xi32>
      %reduce_sum3A_374 = vector.extract %reduce_sum3A_373[15] : i32 from vector<16xi32>
      %mul3A_375 = arith.constant 16 : i32
      %mul3A_376 = arith.muli %scan3A_250, %mul3A_375 : i32
      %add3A_377 = arith.constant 4 : i32
      %add3A_378 = arith.addi %mul3A_376, %add3A_377 : i32
      %gt3A_379 = arith.constant 0 : i32
      %gt3A_380 = arith.cmpi sgt, %scan3A_250, %gt3A_379 : i32
      %convert_element_type3A_381 = arith.extui %gt3A_380 : i1 to i32
      %cond3A_382 = arith.constant 0 : i32
      %cond3A_383 = arith.cmpi ne, %convert_element_type3A_381, %cond3A_382 : i32
      scf.if %cond3A_383 {
        %sub3A = arith.constant 16 : i32
        %sub3A_727 = arith.subi %add3A_378, %sub3A : i32
        %add3A_728 = arith.addi %mul3A_2, %sub3A_727 : i32
        %dma_wait3A_729 = arith.constant 0 : i32
        %dma_wait3A_730 = arith.constant 0 : i32
        %dma_wait3A_731 = tpu.memref_slice %arg6[%dma_wait3A_729, %dma_wait3A_730] : memref<9x5120xf32, #tpu.memory_space<vmem>> -> memref<1x5120xf32, #tpu.memory_space<vmem>>
        %dma_wait3A_732 = tpu.memref_squeeze %dma_wait3A_731 : memref<1x5120xf32, #tpu.memory_space<vmem>> -> memref<5120xf32, #tpu.memory_space<vmem>>
        %dma_wait3A_733 = arith.constant 0 : i32
        %dma_wait3A_734 = tpu.memref_slice %arg4[%add3A_728, %dma_wait3A_733] : memref<16384x5120xf32, #tpu.memory_space<hbm>> -> memref<1x5120xf32, #tpu.memory_space<hbm>>
        %dma_wait3A_735 = tpu.memref_squeeze %dma_wait3A_734 : memref<1x5120xf32, #tpu.memory_space<hbm>> -> memref<5120xf32, #tpu.memory_space<hbm>>
        %dma_wait3A_736 = arith.constant 0 : i32
        %dma_wait3A_737 = tpu.memref_slice %arg4[%add3A_728, %dma_wait3A_736] : memref<16384x5120xf32, #tpu.memory_space<hbm>> -> memref<1x5120xf32, #tpu.memory_space<hbm>>
        %dma_wait3A_738 = tpu.memref_squeeze %dma_wait3A_737 : memref<1x5120xf32, #tpu.memory_space<hbm>> -> memref<5120xf32, #tpu.memory_space<hbm>>
        %dma_wait3A_739 = arith.constant 0 : i32
        %dma_wait3A_740 = tpu.memref_slice %arg6[%dma_wait3A_729, %dma_wait3A_739] : memref<9x5120xf32, #tpu.memory_space<vmem>> -> memref<1x5120xf32, #tpu.memory_space<vmem>>
        %dma_wait3A_741 = tpu.memref_squeeze %dma_wait3A_740 : memref<1x5120xf32, #tpu.memory_space<vmem>> -> memref<5120xf32, #tpu.memory_space<vmem>>
        tpu.wait_dma2 semaphore(%arg11 : memref<!tpu.dma_semaphore, #tpu.memory_space<semaphore_mem>>) src(%dma_wait3A_741 : memref<5120xf32, #tpu.memory_space<vmem>>) dst(%dma_wait3A_738 : memref<5120xf32, #tpu.memory_space<hbm>>)
      } else {
      }
      %add3A_384 = arith.addi %mul3A_2, %add3A_378 : i32
      %dma_start3A_385 = arith.constant 0 : i32
      %dma_start3A_386 = tpu.memref_slice %arg6[%reduce_sum3A_374, %dma_start3A_385] : memref<9x5120xf32, #tpu.memory_space<vmem>> -> memref<1x5120xf32, #tpu.memory_space<vmem>>
      %dma_start3A_387 = tpu.memref_squeeze %dma_start3A_386 : memref<1x5120xf32, #tpu.memory_space<vmem>> -> memref<5120xf32, #tpu.memory_space<vmem>>
      %dma_start3A_388 = arith.constant 0 : i32
      %dma_start3A_389 = tpu.memref_slice %arg4[%add3A_384, %dma_start3A_388] : memref<16384x5120xf32, #tpu.memory_space<hbm>> -> memref<1x5120xf32, #tpu.memory_space<hbm>>
      %dma_start3A_390 = tpu.memref_squeeze %dma_start3A_389 : memref<1x5120xf32, #tpu.memory_space<hbm>> -> memref<5120xf32, #tpu.memory_space<hbm>>
      %dma_start3A_391 = arith.constant 0 : i32
      %dma_start3A_392 = tpu.memref_slice %arg4[%add3A_384, %dma_start3A_391] : memref<16384x5120xf32, #tpu.memory_space<hbm>> -> memref<1x5120xf32, #tpu.memory_space<hbm>>
      %dma_start3A_393 = tpu.memref_squeeze %dma_start3A_392 : memref<1x5120xf32, #tpu.memory_space<hbm>> -> memref<5120xf32, #tpu.memory_space<hbm>>
      %dma_start3A_394 = arith.constant 0 : i32
      %dma_start3A_395 = tpu.memref_slice %arg6[%reduce_sum3A_374, %dma_start3A_394] : memref<9x5120xf32, #tpu.memory_space<vmem>> -> memref<1x5120xf32, #tpu.memory_space<vmem>>
      %dma_start3A_396 = tpu.memref_squeeze %dma_start3A_395 : memref<1x5120xf32, #tpu.memory_space<vmem>> -> memref<5120xf32, #tpu.memory_space<vmem>>
      tpu.enqueue_dma source(%dma_start3A_396 : memref<5120xf32, #tpu.memory_space<vmem>>) target(%dma_start3A_393 : memref<5120xf32, #tpu.memory_space<hbm>>) target_semaphore(%arg11 : memref<!tpu.dma_semaphore, #tpu.memory_space<semaphore_mem>>)
      %eq3A_397 = arith.constant 5 : i32
      %eq3A_398 = vector.broadcast %eq3A_397 : i32 to vector<16xi32>
      %eq3A_399 = arith.cmpi eq, %iota3A, %eq3A_398 : vector<16xi32>
      %select_n3A_400 = arith.select %eq3A_399, %get3A_253, %mul3A_5 : vector<16xi1>, vector<16xi32>
      %reduce_sum3A_401 = arith.constant true
      %reduce_sum3A_402 = vector.broadcast %reduce_sum3A_401 : i1 to vector<16xi1>
      %reduce_sum3A_403 = tpu.scan <sum>, %select_n3A_400 masked %reduce_sum3A_402 : vector<16xi32>, vector<16xi1> -> vector<16xi32>
      %reduce_sum3A_404 = vector.extract %reduce_sum3A_403[15] : i32 from vector<16xi32>
      %mul3A_405 = arith.constant 16 : i32
      %mul3A_406 = arith.muli %scan3A_250, %mul3A_405 : i32
      %add3A_407 = arith.constant 5 : i32
      %add3A_408 = arith.addi %mul3A_406, %add3A_407 : i32
      %gt3A_409 = arith.constant 0 : i32
      %gt3A_410 = arith.cmpi sgt, %scan3A_250, %gt3A_409 : i32
      %convert_element_type3A_411 = arith.extui %gt3A_410 : i1 to i32
      %cond3A_412 = arith.constant 0 : i32
      %cond3A_413 = arith.cmpi ne, %convert_element_type3A_411, %cond3A_412 : i32
      scf.if %cond3A_413 {
        %sub3A = arith.constant 16 : i32
        %sub3A_727 = arith.subi %add3A_408, %sub3A : i32
        %add3A_728 = arith.addi %mul3A_2, %sub3A_727 : i32
        %dma_wait3A_729 = arith.constant 0 : i32
        %dma_wait3A_730 = arith.constant 0 : i32
        %dma_wait3A_731 = tpu.memref_slice %arg6[%dma_wait3A_729, %dma_wait3A_730] : memref<9x5120xf32, #tpu.memory_space<vmem>> -> memref<1x5120xf32, #tpu.memory_space<vmem>>
        %dma_wait3A_732 = tpu.memref_squeeze %dma_wait3A_731 : memref<1x5120xf32, #tpu.memory_space<vmem>> -> memref<5120xf32, #tpu.memory_space<vmem>>
        %dma_wait3A_733 = arith.constant 0 : i32
        %dma_wait3A_734 = tpu.memref_slice %arg4[%add3A_728, %dma_wait3A_733] : memref<16384x5120xf32, #tpu.memory_space<hbm>> -> memref<1x5120xf32, #tpu.memory_space<hbm>>
        %dma_wait3A_735 = tpu.memref_squeeze %dma_wait3A_734 : memref<1x5120xf32, #tpu.memory_space<hbm>> -> memref<5120xf32, #tpu.memory_space<hbm>>
        %dma_wait3A_736 = arith.constant 0 : i32
        %dma_wait3A_737 = tpu.memref_slice %arg4[%add3A_728, %dma_wait3A_736] : memref<16384x5120xf32, #tpu.memory_space<hbm>> -> memref<1x5120xf32, #tpu.memory_space<hbm>>
        %dma_wait3A_738 = tpu.memref_squeeze %dma_wait3A_737 : memref<1x5120xf32, #tpu.memory_space<hbm>> -> memref<5120xf32, #tpu.memory_space<hbm>>
        %dma_wait3A_739 = arith.constant 0 : i32
        %dma_wait3A_740 = tpu.memref_slice %arg6[%dma_wait3A_729, %dma_wait3A_739] : memref<9x5120xf32, #tpu.memory_space<vmem>> -> memref<1x5120xf32, #tpu.memory_space<vmem>>
        %dma_wait3A_741 = tpu.memref_squeeze %dma_wait3A_740 : memref<1x5120xf32, #tpu.memory_space<vmem>> -> memref<5120xf32, #tpu.memory_space<vmem>>
        tpu.wait_dma2 semaphore(%arg12 : memref<!tpu.dma_semaphore, #tpu.memory_space<semaphore_mem>>) src(%dma_wait3A_741 : memref<5120xf32, #tpu.memory_space<vmem>>) dst(%dma_wait3A_738 : memref<5120xf32, #tpu.memory_space<hbm>>)
      } else {
      }
      %add3A_414 = arith.addi %mul3A_2, %add3A_408 : i32
      %dma_start3A_415 = arith.constant 0 : i32
      %dma_start3A_416 = tpu.memref_slice %arg6[%reduce_sum3A_404, %dma_start3A_415] : memref<9x5120xf32, #tpu.memory_space<vmem>> -> memref<1x5120xf32, #tpu.memory_space<vmem>>
      %dma_start3A_417 = tpu.memref_squeeze %dma_start3A_416 : memref<1x5120xf32, #tpu.memory_space<vmem>> -> memref<5120xf32, #tpu.memory_space<vmem>>
      %dma_start3A_418 = arith.constant 0 : i32
      %dma_start3A_419 = tpu.memref_slice %arg4[%add3A_414, %dma_start3A_418] : memref<16384x5120xf32, #tpu.memory_space<hbm>> -> memref<1x5120xf32, #tpu.memory_space<hbm>>
      %dma_start3A_420 = tpu.memref_squeeze %dma_start3A_419 : memref<1x5120xf32, #tpu.memory_space<hbm>> -> memref<5120xf32, #tpu.memory_space<hbm>>
      %dma_start3A_421 = arith.constant 0 : i32
      %dma_start3A_422 = tpu.memref_slice %arg4[%add3A_414, %dma_start3A_421] : memref<16384x5120xf32, #tpu.memory_space<hbm>> -> memref<1x5120xf32, #tpu.memory_space<hbm>>
      %dma_start3A_423 = tpu.memref_squeeze %dma_start3A_422 : memref<1x5120xf32, #tpu.memory_space<hbm>> -> memref<5120xf32, #tpu.memory_space<hbm>>
      %dma_start3A_424 = arith.constant 0 : i32
      %dma_start3A_425 = tpu.memref_slice %arg6[%reduce_sum3A_404, %dma_start3A_424] : memref<9x5120xf32, #tpu.memory_space<vmem>> -> memref<1x5120xf32, #tpu.memory_space<vmem>>
      %dma_start3A_426 = tpu.memref_squeeze %dma_start3A_425 : memref<1x5120xf32, #tpu.memory_space<vmem>> -> memref<5120xf32, #tpu.memory_space<vmem>>
      tpu.enqueue_dma source(%dma_start3A_426 : memref<5120xf32, #tpu.memory_space<vmem>>) target(%dma_start3A_423 : memref<5120xf32, #tpu.memory_space<hbm>>) target_semaphore(%arg12 : memref<!tpu.dma_semaphore, #tpu.memory_space<semaphore_mem>>)
      %eq3A_427 = arith.constant 6 : i32
      %eq3A_428 = vector.broadcast %eq3A_427 : i32 to vector<16xi32>
      %eq3A_429 = arith.cmpi eq, %iota3A, %eq3A_428 : vector<16xi32>
      %select_n3A_430 = arith.select %eq3A_429, %get3A_253, %mul3A_5 : vector<16xi1>, vector<16xi32>
      %reduce_sum3A_431 = arith.constant true
      %reduce_sum3A_432 = vector.broadcast %reduce_sum3A_431 : i1 to vector<16xi1>
      %reduce_sum3A_433 = tpu.scan <sum>, %select_n3A_430 masked %reduce_sum3A_432 : vector<16xi32>, vector<16xi1> -> vector<16xi32>
      %reduce_sum3A_434 = vector.extract %reduce_sum3A_433[15] : i32 from vector<16xi32>
      %mul3A_435 = arith.constant 16 : i32
      %mul3A_436 = arith.muli %scan3A_250, %mul3A_435 : i32
      %add3A_437 = arith.constant 6 : i32
      %add3A_438 = arith.addi %mul3A_436, %add3A_437 : i32
      %gt3A_439 = arith.constant 0 : i32
      %gt3A_440 = arith.cmpi sgt, %scan3A_250, %gt3A_439 : i32
      %convert_element_type3A_441 = arith.extui %gt3A_440 : i1 to i32
      %cond3A_442 = arith.constant 0 : i32
      %cond3A_443 = arith.cmpi ne, %convert_element_type3A_441, %cond3A_442 : i32
      scf.if %cond3A_443 {
        %sub3A = arith.constant 16 : i32
        %sub3A_727 = arith.subi %add3A_438, %sub3A : i32
        %add3A_728 = arith.addi %mul3A_2, %sub3A_727 : i32
        %dma_wait3A_729 = arith.constant 0 : i32
        %dma_wait3A_730 = arith.constant 0 : i32
        %dma_wait3A_731 = tpu.memref_slice %arg6[%dma_wait3A_729, %dma_wait3A_730] : memref<9x5120xf32, #tpu.memory_space<vmem>> -> memref<1x5120xf32, #tpu.memory_space<vmem>>
        %dma_wait3A_732 = tpu.memref_squeeze %dma_wait3A_731 : memref<1x5120xf32, #tpu.memory_space<vmem>> -> memref<5120xf32, #tpu.memory_space<vmem>>
        %dma_wait3A_733 = arith.constant 0 : i32
        %dma_wait3A_734 = tpu.memref_slice %arg4[%add3A_728, %dma_wait3A_733] : memref<16384x5120xf32, #tpu.memory_space<hbm>> -> memref<1x5120xf32, #tpu.memory_space<hbm>>
        %dma_wait3A_735 = tpu.memref_squeeze %dma_wait3A_734 : memref<1x5120xf32, #tpu.memory_space<hbm>> -> memref<5120xf32, #tpu.memory_space<hbm>>
        %dma_wait3A_736 = arith.constant 0 : i32
        %dma_wait3A_737 = tpu.memref_slice %arg4[%add3A_728, %dma_wait3A_736] : memref<16384x5120xf32, #tpu.memory_space<hbm>> -> memref<1x5120xf32, #tpu.memory_space<hbm>>
        %dma_wait3A_738 = tpu.memref_squeeze %dma_wait3A_737 : memref<1x5120xf32, #tpu.memory_space<hbm>> -> memref<5120xf32, #tpu.memory_space<hbm>>
        %dma_wait3A_739 = arith.constant 0 : i32
        %dma_wait3A_740 = tpu.memref_slice %arg6[%dma_wait3A_729, %dma_wait3A_739] : memref<9x5120xf32, #tpu.memory_space<vmem>> -> memref<1x5120xf32, #tpu.memory_space<vmem>>
        %dma_wait3A_741 = tpu.memref_squeeze %dma_wait3A_740 : memref<1x5120xf32, #tpu.memory_space<vmem>> -> memref<5120xf32, #tpu.memory_space<vmem>>
        tpu.wait_dma2 semaphore(%arg13 : memref<!tpu.dma_semaphore, #tpu.memory_space<semaphore_mem>>) src(%dma_wait3A_741 : memref<5120xf32, #tpu.memory_space<vmem>>) dst(%dma_wait3A_738 : memref<5120xf32, #tpu.memory_space<hbm>>)
      } else {
      }
      %add3A_444 = arith.addi %mul3A_2, %add3A_438 : i32
      %dma_start3A_445 = arith.constant 0 : i32
      %dma_start3A_446 = tpu.memref_slice %arg6[%reduce_sum3A_434, %dma_start3A_445] : memref<9x5120xf32, #tpu.memory_space<vmem>> -> memref<1x5120xf32, #tpu.memory_space<vmem>>
      %dma_start3A_447 = tpu.memref_squeeze %dma_start3A_446 : memref<1x5120xf32, #tpu.memory_space<vmem>> -> memref<5120xf32, #tpu.memory_space<vmem>>
      %dma_start3A_448 = arith.constant 0 : i32
      %dma_start3A_449 = tpu.memref_slice %arg4[%add3A_444, %dma_start3A_448] : memref<16384x5120xf32, #tpu.memory_space<hbm>> -> memref<1x5120xf32, #tpu.memory_space<hbm>>
      %dma_start3A_450 = tpu.memref_squeeze %dma_start3A_449 : memref<1x5120xf32, #tpu.memory_space<hbm>> -> memref<5120xf32, #tpu.memory_space<hbm>>
      %dma_start3A_451 = arith.constant 0 : i32
      %dma_start3A_452 = tpu.memref_slice %arg4[%add3A_444, %dma_start3A_451] : memref<16384x5120xf32, #tpu.memory_space<hbm>> -> memref<1x5120xf32, #tpu.memory_space<hbm>>
      %dma_start3A_453 = tpu.memref_squeeze %dma_start3A_452 : memref<1x5120xf32, #tpu.memory_space<hbm>> -> memref<5120xf32, #tpu.memory_space<hbm>>
      %dma_start3A_454 = arith.constant 0 : i32
      %dma_start3A_455 = tpu.memref_slice %arg6[%reduce_sum3A_434, %dma_start3A_454] : memref<9x5120xf32, #tpu.memory_space<vmem>> -> memref<1x5120xf32, #tpu.memory_space<vmem>>
      %dma_start3A_456 = tpu.memref_squeeze %dma_start3A_455 : memref<1x5120xf32, #tpu.memory_space<vmem>> -> memref<5120xf32, #tpu.memory_space<vmem>>
      tpu.enqueue_dma source(%dma_start3A_456 : memref<5120xf32, #tpu.memory_space<vmem>>) target(%dma_start3A_453 : memref<5120xf32, #tpu.memory_space<hbm>>) target_semaphore(%arg13 : memref<!tpu.dma_semaphore, #tpu.memory_space<semaphore_mem>>)
      %eq3A_457 = arith.constant 7 : i32
      %eq3A_458 = vector.broadcast %eq3A_457 : i32 to vector<16xi32>
      %eq3A_459 = arith.cmpi eq, %iota3A, %eq3A_458 : vector<16xi32>
      %select_n3A_460 = arith.select %eq3A_459, %get3A_253, %mul3A_5 : vector<16xi1>, vector<16xi32>
      %reduce_sum3A_461 = arith.constant true
      %reduce_sum3A_462 = vector.broadcast %reduce_sum3A_461 : i1 to vector<16xi1>
      %reduce_sum3A_463 = tpu.scan <sum>, %select_n3A_460 masked %reduce_sum3A_462 : vector<16xi32>, vector<16xi1> -> vector<16xi32>
      %reduce_sum3A_464 = vector.extract %reduce_sum3A_463[15] : i32 from vector<16xi32>
      %mul3A_465 = arith.constant 16 : i32
      %mul3A_466 = arith.muli %scan3A_250, %mul3A_465 : i32
      %add3A_467 = arith.constant 7 : i32
      %add3A_468 = arith.addi %mul3A_466, %add3A_467 : i32
      %gt3A_469 = arith.constant 0 : i32
      %gt3A_470 = arith.cmpi sgt, %scan3A_250, %gt3A_469 : i32
      %convert_element_type3A_471 = arith.extui %gt3A_470 : i1 to i32
      %cond3A_472 = arith.constant 0 : i32
      %cond3A_473 = arith.cmpi ne, %convert_element_type3A_471, %cond3A_472 : i32
      scf.if %cond3A_473 {
        %sub3A = arith.constant 16 : i32
        %sub3A_727 = arith.subi %add3A_468, %sub3A : i32
        %add3A_728 = arith.addi %mul3A_2, %sub3A_727 : i32
        %dma_wait3A_729 = arith.constant 0 : i32
        %dma_wait3A_730 = arith.constant 0 : i32
        %dma_wait3A_731 = tpu.memref_slice %arg6[%dma_wait3A_729, %dma_wait3A_730] : memref<9x5120xf32, #tpu.memory_space<vmem>> -> memref<1x5120xf32, #tpu.memory_space<vmem>>
        %dma_wait3A_732 = tpu.memref_squeeze %dma_wait3A_731 : memref<1x5120xf32, #tpu.memory_space<vmem>> -> memref<5120xf32, #tpu.memory_space<vmem>>
        %dma_wait3A_733 = arith.constant 0 : i32
        %dma_wait3A_734 = tpu.memref_slice %arg4[%add3A_728, %dma_wait3A_733] : memref<16384x5120xf32, #tpu.memory_space<hbm>> -> memref<1x5120xf32, #tpu.memory_space<hbm>>
        %dma_wait3A_735 = tpu.memref_squeeze %dma_wait3A_734 : memref<1x5120xf32, #tpu.memory_space<hbm>> -> memref<5120xf32, #tpu.memory_space<hbm>>
        %dma_wait3A_736 = arith.constant 0 : i32
        %dma_wait3A_737 = tpu.memref_slice %arg4[%add3A_728, %dma_wait3A_736] : memref<16384x5120xf32, #tpu.memory_space<hbm>> -> memref<1x5120xf32, #tpu.memory_space<hbm>>
        %dma_wait3A_738 = tpu.memref_squeeze %dma_wait3A_737 : memref<1x5120xf32, #tpu.memory_space<hbm>> -> memref<5120xf32, #tpu.memory_space<hbm>>
        %dma_wait3A_739 = arith.constant 0 : i32
        %dma_wait3A_740 = tpu.memref_slice %arg6[%dma_wait3A_729, %dma_wait3A_739] : memref<9x5120xf32, #tpu.memory_space<vmem>> -> memref<1x5120xf32, #tpu.memory_space<vmem>>
        %dma_wait3A_741 = tpu.memref_squeeze %dma_wait3A_740 : memref<1x5120xf32, #tpu.memory_space<vmem>> -> memref<5120xf32, #tpu.memory_space<vmem>>
        tpu.wait_dma2 semaphore(%arg14 : memref<!tpu.dma_semaphore, #tpu.memory_space<semaphore_mem>>) src(%dma_wait3A_741 : memref<5120xf32, #tpu.memory_space<vmem>>) dst(%dma_wait3A_738 : memref<5120xf32, #tpu.memory_space<hbm>>)
      } else {
      }
      %add3A_474 = arith.addi %mul3A_2, %add3A_468 : i32
      %dma_start3A_475 = arith.constant 0 : i32
      %dma_start3A_476 = tpu.memref_slice %arg6[%reduce_sum3A_464, %dma_start3A_475] : memref<9x5120xf32, #tpu.memory_space<vmem>> -> memref<1x5120xf32, #tpu.memory_space<vmem>>
      %dma_start3A_477 = tpu.memref_squeeze %dma_start3A_476 : memref<1x5120xf32, #tpu.memory_space<vmem>> -> memref<5120xf32, #tpu.memory_space<vmem>>
      %dma_start3A_478 = arith.constant 0 : i32
      %dma_start3A_479 = tpu.memref_slice %arg4[%add3A_474, %dma_start3A_478] : memref<16384x5120xf32, #tpu.memory_space<hbm>> -> memref<1x5120xf32, #tpu.memory_space<hbm>>
      %dma_start3A_480 = tpu.memref_squeeze %dma_start3A_479 : memref<1x5120xf32, #tpu.memory_space<hbm>> -> memref<5120xf32, #tpu.memory_space<hbm>>
      %dma_start3A_481 = arith.constant 0 : i32
      %dma_start3A_482 = tpu.memref_slice %arg4[%add3A_474, %dma_start3A_481] : memref<16384x5120xf32, #tpu.memory_space<hbm>> -> memref<1x5120xf32, #tpu.memory_space<hbm>>
      %dma_start3A_483 = tpu.memref_squeeze %dma_start3A_482 : memref<1x5120xf32, #tpu.memory_space<hbm>> -> memref<5120xf32, #tpu.memory_space<hbm>>
      %dma_start3A_484 = arith.constant 0 : i32
      %dma_start3A_485 = tpu.memref_slice %arg6[%reduce_sum3A_464, %dma_start3A_484] : memref<9x5120xf32, #tpu.memory_space<vmem>> -> memref<1x5120xf32, #tpu.memory_space<vmem>>
      %dma_start3A_486 = tpu.memref_squeeze %dma_start3A_485 : memref<1x5120xf32, #tpu.memory_space<vmem>> -> memref<5120xf32, #tpu.memory_space<vmem>>
      tpu.enqueue_dma source(%dma_start3A_486 : memref<5120xf32, #tpu.memory_space<vmem>>) target(%dma_start3A_483 : memref<5120xf32, #tpu.memory_space<hbm>>) target_semaphore(%arg14 : memref<!tpu.dma_semaphore, #tpu.memory_space<semaphore_mem>>)
      %eq3A_487 = arith.constant 8 : i32
      %eq3A_488 = vector.broadcast %eq3A_487 : i32 to vector<16xi32>
      %eq3A_489 = arith.cmpi eq, %iota3A, %eq3A_488 : vector<16xi32>
      %select_n3A_490 = arith.select %eq3A_489, %get3A_253, %mul3A_5 : vector<16xi1>, vector<16xi32>
      %reduce_sum3A_491 = arith.constant true
      %reduce_sum3A_492 = vector.broadcast %reduce_sum3A_491 : i1 to vector<16xi1>
      %reduce_sum3A_493 = tpu.scan <sum>, %select_n3A_490 masked %reduce_sum3A_492 : vector<16xi32>, vector<16xi1> -> vector<16xi32>
      %reduce_sum3A_494 = vector.extract %reduce_sum3A_493[15] : i32 from vector<16xi32>
      %mul3A_495 = arith.constant 16 : i32
      %mul3A_496 = arith.muli %scan3A_250, %mul3A_495 : i32
      %add3A_497 = arith.constant 8 : i32
      %add3A_498 = arith.addi %mul3A_496, %add3A_497 : i32
      %gt3A_499 = arith.constant 0 : i32
      %gt3A_500 = arith.cmpi sgt, %scan3A_250, %gt3A_499 : i32
      %convert_element_type3A_501 = arith.extui %gt3A_500 : i1 to i32
      %cond3A_502 = arith.constant 0 : i32
      %cond3A_503 = arith.cmpi ne, %convert_element_type3A_501, %cond3A_502 : i32
      scf.if %cond3A_503 {
        %sub3A = arith.constant 16 : i32
        %sub3A_727 = arith.subi %add3A_498, %sub3A : i32
        %add3A_728 = arith.addi %mul3A_2, %sub3A_727 : i32
        %dma_wait3A_729 = arith.constant 0 : i32
        %dma_wait3A_730 = arith.constant 0 : i32
        %dma_wait3A_731 = tpu.memref_slice %arg6[%dma_wait3A_729, %dma_wait3A_730] : memref<9x5120xf32, #tpu.memory_space<vmem>> -> memref<1x5120xf32, #tpu.memory_space<vmem>>
        %dma_wait3A_732 = tpu.memref_squeeze %dma_wait3A_731 : memref<1x5120xf32, #tpu.memory_space<vmem>> -> memref<5120xf32, #tpu.memory_space<vmem>>
        %dma_wait3A_733 = arith.constant 0 : i32
        %dma_wait3A_734 = tpu.memref_slice %arg4[%add3A_728, %dma_wait3A_733] : memref<16384x5120xf32, #tpu.memory_space<hbm>> -> memref<1x5120xf32, #tpu.memory_space<hbm>>
        %dma_wait3A_735 = tpu.memref_squeeze %dma_wait3A_734 : memref<1x5120xf32, #tpu.memory_space<hbm>> -> memref<5120xf32, #tpu.memory_space<hbm>>
        %dma_wait3A_736 = arith.constant 0 : i32
        %dma_wait3A_737 = tpu.memref_slice %arg4[%add3A_728, %dma_wait3A_736] : memref<16384x5120xf32, #tpu.memory_space<hbm>> -> memref<1x5120xf32, #tpu.memory_space<hbm>>
        %dma_wait3A_738 = tpu.memref_squeeze %dma_wait3A_737 : memref<1x5120xf32, #tpu.memory_space<hbm>> -> memref<5120xf32, #tpu.memory_space<hbm>>
        %dma_wait3A_739 = arith.constant 0 : i32
        %dma_wait3A_740 = tpu.memref_slice %arg6[%dma_wait3A_729, %dma_wait3A_739] : memref<9x5120xf32, #tpu.memory_space<vmem>> -> memref<1x5120xf32, #tpu.memory_space<vmem>>
        %dma_wait3A_741 = tpu.memref_squeeze %dma_wait3A_740 : memref<1x5120xf32, #tpu.memory_space<vmem>> -> memref<5120xf32, #tpu.memory_space<vmem>>
        tpu.wait_dma2 semaphore(%arg15 : memref<!tpu.dma_semaphore, #tpu.memory_space<semaphore_mem>>) src(%dma_wait3A_741 : memref<5120xf32, #tpu.memory_space<vmem>>) dst(%dma_wait3A_738 : memref<5120xf32, #tpu.memory_space<hbm>>)
      } else {
      }
      %add3A_504 = arith.addi %mul3A_2, %add3A_498 : i32
      %dma_start3A_505 = arith.constant 0 : i32
      %dma_start3A_506 = tpu.memref_slice %arg6[%reduce_sum3A_494, %dma_start3A_505] : memref<9x5120xf32, #tpu.memory_space<vmem>> -> memref<1x5120xf32, #tpu.memory_space<vmem>>
      %dma_start3A_507 = tpu.memref_squeeze %dma_start3A_506 : memref<1x5120xf32, #tpu.memory_space<vmem>> -> memref<5120xf32, #tpu.memory_space<vmem>>
      %dma_start3A_508 = arith.constant 0 : i32
      %dma_start3A_509 = tpu.memref_slice %arg4[%add3A_504, %dma_start3A_508] : memref<16384x5120xf32, #tpu.memory_space<hbm>> -> memref<1x5120xf32, #tpu.memory_space<hbm>>
      %dma_start3A_510 = tpu.memref_squeeze %dma_start3A_509 : memref<1x5120xf32, #tpu.memory_space<hbm>> -> memref<5120xf32, #tpu.memory_space<hbm>>
      %dma_start3A_511 = arith.constant 0 : i32
      %dma_start3A_512 = tpu.memref_slice %arg4[%add3A_504, %dma_start3A_511] : memref<16384x5120xf32, #tpu.memory_space<hbm>> -> memref<1x5120xf32, #tpu.memory_space<hbm>>
      %dma_start3A_513 = tpu.memref_squeeze %dma_start3A_512 : memref<1x5120xf32, #tpu.memory_space<hbm>> -> memref<5120xf32, #tpu.memory_space<hbm>>
      %dma_start3A_514 = arith.constant 0 : i32
      %dma_start3A_515 = tpu.memref_slice %arg6[%reduce_sum3A_494, %dma_start3A_514] : memref<9x5120xf32, #tpu.memory_space<vmem>> -> memref<1x5120xf32, #tpu.memory_space<vmem>>
      %dma_start3A_516 = tpu.memref_squeeze %dma_start3A_515 : memref<1x5120xf32, #tpu.memory_space<vmem>> -> memref<5120xf32, #tpu.memory_space<vmem>>
      tpu.enqueue_dma source(%dma_start3A_516 : memref<5120xf32, #tpu.memory_space<vmem>>) target(%dma_start3A_513 : memref<5120xf32, #tpu.memory_space<hbm>>) target_semaphore(%arg15 : memref<!tpu.dma_semaphore, #tpu.memory_space<semaphore_mem>>)
      %eq3A_517 = arith.constant 9 : i32
      %eq3A_518 = vector.broadcast %eq3A_517 : i32 to vector<16xi32>
      %eq3A_519 = arith.cmpi eq, %iota3A, %eq3A_518 : vector<16xi32>
      %select_n3A_520 = arith.select %eq3A_519, %get3A_253, %mul3A_5 : vector<16xi1>, vector<16xi32>
      %reduce_sum3A_521 = arith.constant true
      %reduce_sum3A_522 = vector.broadcast %reduce_sum3A_521 : i1 to vector<16xi1>
      %reduce_sum3A_523 = tpu.scan <sum>, %select_n3A_520 masked %reduce_sum3A_522 : vector<16xi32>, vector<16xi1> -> vector<16xi32>
      %reduce_sum3A_524 = vector.extract %reduce_sum3A_523[15] : i32 from vector<16xi32>
      %mul3A_525 = arith.constant 16 : i32
      %mul3A_526 = arith.muli %scan3A_250, %mul3A_525 : i32
      %add3A_527 = arith.constant 9 : i32
      %add3A_528 = arith.addi %mul3A_526, %add3A_527 : i32
      %gt3A_529 = arith.constant 0 : i32
      %gt3A_530 = arith.cmpi sgt, %scan3A_250, %gt3A_529 : i32
      %convert_element_type3A_531 = arith.extui %gt3A_530 : i1 to i32
      %cond3A_532 = arith.constant 0 : i32
      %cond3A_533 = arith.cmpi ne, %convert_element_type3A_531, %cond3A_532 : i32
      scf.if %cond3A_533 {
        %sub3A = arith.constant 16 : i32
        %sub3A_727 = arith.subi %add3A_528, %sub3A : i32
        %add3A_728 = arith.addi %mul3A_2, %sub3A_727 : i32
        %dma_wait3A_729 = arith.constant 0 : i32
        %dma_wait3A_730 = arith.constant 0 : i32
        %dma_wait3A_731 = tpu.memref_slice %arg6[%dma_wait3A_729, %dma_wait3A_730] : memref<9x5120xf32, #tpu.memory_space<vmem>> -> memref<1x5120xf32, #tpu.memory_space<vmem>>
        %dma_wait3A_732 = tpu.memref_squeeze %dma_wait3A_731 : memref<1x5120xf32, #tpu.memory_space<vmem>> -> memref<5120xf32, #tpu.memory_space<vmem>>
        %dma_wait3A_733 = arith.constant 0 : i32
        %dma_wait3A_734 = tpu.memref_slice %arg4[%add3A_728, %dma_wait3A_733] : memref<16384x5120xf32, #tpu.memory_space<hbm>> -> memref<1x5120xf32, #tpu.memory_space<hbm>>
        %dma_wait3A_735 = tpu.memref_squeeze %dma_wait3A_734 : memref<1x5120xf32, #tpu.memory_space<hbm>> -> memref<5120xf32, #tpu.memory_space<hbm>>
        %dma_wait3A_736 = arith.constant 0 : i32
        %dma_wait3A_737 = tpu.memref_slice %arg4[%add3A_728, %dma_wait3A_736] : memref<16384x5120xf32, #tpu.memory_space<hbm>> -> memref<1x5120xf32, #tpu.memory_space<hbm>>
        %dma_wait3A_738 = tpu.memref_squeeze %dma_wait3A_737 : memref<1x5120xf32, #tpu.memory_space<hbm>> -> memref<5120xf32, #tpu.memory_space<hbm>>
        %dma_wait3A_739 = arith.constant 0 : i32
        %dma_wait3A_740 = tpu.memref_slice %arg6[%dma_wait3A_729, %dma_wait3A_739] : memref<9x5120xf32, #tpu.memory_space<vmem>> -> memref<1x5120xf32, #tpu.memory_space<vmem>>
        %dma_wait3A_741 = tpu.memref_squeeze %dma_wait3A_740 : memref<1x5120xf32, #tpu.memory_space<vmem>> -> memref<5120xf32, #tpu.memory_space<vmem>>
        tpu.wait_dma2 semaphore(%arg16 : memref<!tpu.dma_semaphore, #tpu.memory_space<semaphore_mem>>) src(%dma_wait3A_741 : memref<5120xf32, #tpu.memory_space<vmem>>) dst(%dma_wait3A_738 : memref<5120xf32, #tpu.memory_space<hbm>>)
      } else {
      }
      %add3A_534 = arith.addi %mul3A_2, %add3A_528 : i32
      %dma_start3A_535 = arith.constant 0 : i32
      %dma_start3A_536 = tpu.memref_slice %arg6[%reduce_sum3A_524, %dma_start3A_535] : memref<9x5120xf32, #tpu.memory_space<vmem>> -> memref<1x5120xf32, #tpu.memory_space<vmem>>
      %dma_start3A_537 = tpu.memref_squeeze %dma_start3A_536 : memref<1x5120xf32, #tpu.memory_space<vmem>> -> memref<5120xf32, #tpu.memory_space<vmem>>
      %dma_start3A_538 = arith.constant 0 : i32
      %dma_start3A_539 = tpu.memref_slice %arg4[%add3A_534, %dma_start3A_538] : memref<16384x5120xf32, #tpu.memory_space<hbm>> -> memref<1x5120xf32, #tpu.memory_space<hbm>>
      %dma_start3A_540 = tpu.memref_squeeze %dma_start3A_539 : memref<1x5120xf32, #tpu.memory_space<hbm>> -> memref<5120xf32, #tpu.memory_space<hbm>>
      %dma_start3A_541 = arith.constant 0 : i32
      %dma_start3A_542 = tpu.memref_slice %arg4[%add3A_534, %dma_start3A_541] : memref<16384x5120xf32, #tpu.memory_space<hbm>> -> memref<1x5120xf32, #tpu.memory_space<hbm>>
      %dma_start3A_543 = tpu.memref_squeeze %dma_start3A_542 : memref<1x5120xf32, #tpu.memory_space<hbm>> -> memref<5120xf32, #tpu.memory_space<hbm>>
      %dma_start3A_544 = arith.constant 0 : i32
      %dma_start3A_545 = tpu.memref_slice %arg6[%reduce_sum3A_524, %dma_start3A_544] : memref<9x5120xf32, #tpu.memory_space<vmem>> -> memref<1x5120xf32, #tpu.memory_space<vmem>>
      %dma_start3A_546 = tpu.memref_squeeze %dma_start3A_545 : memref<1x5120xf32, #tpu.memory_space<vmem>> -> memref<5120xf32, #tpu.memory_space<vmem>>
      tpu.enqueue_dma source(%dma_start3A_546 : memref<5120xf32, #tpu.memory_space<vmem>>) target(%dma_start3A_543 : memref<5120xf32, #tpu.memory_space<hbm>>) target_semaphore(%arg16 : memref<!tpu.dma_semaphore, #tpu.memory_space<semaphore_mem>>)
      %eq3A_547 = arith.constant 10 : i32
      %eq3A_548 = vector.broadcast %eq3A_547 : i32 to vector<16xi32>
      %eq3A_549 = arith.cmpi eq, %iota3A, %eq3A_548 : vector<16xi32>
      %select_n3A_550 = arith.select %eq3A_549, %get3A_253, %mul3A_5 : vector<16xi1>, vector<16xi32>
      %reduce_sum3A_551 = arith.constant true
      %reduce_sum3A_552 = vector.broadcast %reduce_sum3A_551 : i1 to vector<16xi1>
      %reduce_sum3A_553 = tpu.scan <sum>, %select_n3A_550 masked %reduce_sum3A_552 : vector<16xi32>, vector<16xi1> -> vector<16xi32>
      %reduce_sum3A_554 = vector.extract %reduce_sum3A_553[15] : i32 from vector<16xi32>
      %mul3A_555 = arith.constant 16 : i32
      %mul3A_556 = arith.muli %scan3A_250, %mul3A_555 : i32
      %add3A_557 = arith.constant 10 : i32
      %add3A_558 = arith.addi %mul3A_556, %add3A_557 : i32
      %gt3A_559 = arith.constant 0 : i32
      %gt3A_560 = arith.cmpi sgt, %scan3A_250, %gt3A_559 : i32
      %convert_element_type3A_561 = arith.extui %gt3A_560 : i1 to i32
      %cond3A_562 = arith.constant 0 : i32
      %cond3A_563 = arith.cmpi ne, %convert_element_type3A_561, %cond3A_562 : i32
      scf.if %cond3A_563 {
        %sub3A = arith.constant 16 : i32
        %sub3A_727 = arith.subi %add3A_558, %sub3A : i32
        %add3A_728 = arith.addi %mul3A_2, %sub3A_727 : i32
        %dma_wait3A_729 = arith.constant 0 : i32
        %dma_wait3A_730 = arith.constant 0 : i32
        %dma_wait3A_731 = tpu.memref_slice %arg6[%dma_wait3A_729, %dma_wait3A_730] : memref<9x5120xf32, #tpu.memory_space<vmem>> -> memref<1x5120xf32, #tpu.memory_space<vmem>>
        %dma_wait3A_732 = tpu.memref_squeeze %dma_wait3A_731 : memref<1x5120xf32, #tpu.memory_space<vmem>> -> memref<5120xf32, #tpu.memory_space<vmem>>
        %dma_wait3A_733 = arith.constant 0 : i32
        %dma_wait3A_734 = tpu.memref_slice %arg4[%add3A_728, %dma_wait3A_733] : memref<16384x5120xf32, #tpu.memory_space<hbm>> -> memref<1x5120xf32, #tpu.memory_space<hbm>>
        %dma_wait3A_735 = tpu.memref_squeeze %dma_wait3A_734 : memref<1x5120xf32, #tpu.memory_space<hbm>> -> memref<5120xf32, #tpu.memory_space<hbm>>
        %dma_wait3A_736 = arith.constant 0 : i32
        %dma_wait3A_737 = tpu.memref_slice %arg4[%add3A_728, %dma_wait3A_736] : memref<16384x5120xf32, #tpu.memory_space<hbm>> -> memref<1x5120xf32, #tpu.memory_space<hbm>>
        %dma_wait3A_738 = tpu.memref_squeeze %dma_wait3A_737 : memref<1x5120xf32, #tpu.memory_space<hbm>> -> memref<5120xf32, #tpu.memory_space<hbm>>
        %dma_wait3A_739 = arith.constant 0 : i32
        %dma_wait3A_740 = tpu.memref_slice %arg6[%dma_wait3A_729, %dma_wait3A_739] : memref<9x5120xf32, #tpu.memory_space<vmem>> -> memref<1x5120xf32, #tpu.memory_space<vmem>>
        %dma_wait3A_741 = tpu.memref_squeeze %dma_wait3A_740 : memref<1x5120xf32, #tpu.memory_space<vmem>> -> memref<5120xf32, #tpu.memory_space<vmem>>
        tpu.wait_dma2 semaphore(%arg17 : memref<!tpu.dma_semaphore, #tpu.memory_space<semaphore_mem>>) src(%dma_wait3A_741 : memref<5120xf32, #tpu.memory_space<vmem>>) dst(%dma_wait3A_738 : memref<5120xf32, #tpu.memory_space<hbm>>)
      } else {
      }
      %add3A_564 = arith.addi %mul3A_2, %add3A_558 : i32
      %dma_start3A_565 = arith.constant 0 : i32
      %dma_start3A_566 = tpu.memref_slice %arg6[%reduce_sum3A_554, %dma_start3A_565] : memref<9x5120xf32, #tpu.memory_space<vmem>> -> memref<1x5120xf32, #tpu.memory_space<vmem>>
      %dma_start3A_567 = tpu.memref_squeeze %dma_start3A_566 : memref<1x5120xf32, #tpu.memory_space<vmem>> -> memref<5120xf32, #tpu.memory_space<vmem>>
      %dma_start3A_568 = arith.constant 0 : i32
      %dma_start3A_569 = tpu.memref_slice %arg4[%add3A_564, %dma_start3A_568] : memref<16384x5120xf32, #tpu.memory_space<hbm>> -> memref<1x5120xf32, #tpu.memory_space<hbm>>
      %dma_start3A_570 = tpu.memref_squeeze %dma_start3A_569 : memref<1x5120xf32, #tpu.memory_space<hbm>> -> memref<5120xf32, #tpu.memory_space<hbm>>
      %dma_start3A_571 = arith.constant 0 : i32
      %dma_start3A_572 = tpu.memref_slice %arg4[%add3A_564, %dma_start3A_571] : memref<16384x5120xf32, #tpu.memory_space<hbm>> -> memref<1x5120xf32, #tpu.memory_space<hbm>>
      %dma_start3A_573 = tpu.memref_squeeze %dma_start3A_572 : memref<1x5120xf32, #tpu.memory_space<hbm>> -> memref<5120xf32, #tpu.memory_space<hbm>>
      %dma_start3A_574 = arith.constant 0 : i32
      %dma_start3A_575 = tpu.memref_slice %arg6[%reduce_sum3A_554, %dma_start3A_574] : memref<9x5120xf32, #tpu.memory_space<vmem>> -> memref<1x5120xf32, #tpu.memory_space<vmem>>
      %dma_start3A_576 = tpu.memref_squeeze %dma_start3A_575 : memref<1x5120xf32, #tpu.memory_space<vmem>> -> memref<5120xf32, #tpu.memory_space<vmem>>
      tpu.enqueue_dma source(%dma_start3A_576 : memref<5120xf32, #tpu.memory_space<vmem>>) target(%dma_start3A_573 : memref<5120xf32, #tpu.memory_space<hbm>>) target_semaphore(%arg17 : memref<!tpu.dma_semaphore, #tpu.memory_space<semaphore_mem>>)
      %eq3A_577 = arith.constant 11 : i32
      %eq3A_578 = vector.broadcast %eq3A_577 : i32 to vector<16xi32>
      %eq3A_579 = arith.cmpi eq, %iota3A, %eq3A_578 : vector<16xi32>
      %select_n3A_580 = arith.select %eq3A_579, %get3A_253, %mul3A_5 : vector<16xi1>, vector<16xi32>
      %reduce_sum3A_581 = arith.constant true
      %reduce_sum3A_582 = vector.broadcast %reduce_sum3A_581 : i1 to vector<16xi1>
      %reduce_sum3A_583 = tpu.scan <sum>, %select_n3A_580 masked %reduce_sum3A_582 : vector<16xi32>, vector<16xi1> -> vector<16xi32>
      %reduce_sum3A_584 = vector.extract %reduce_sum3A_583[15] : i32 from vector<16xi32>
      %mul3A_585 = arith.constant 16 : i32
      %mul3A_586 = arith.muli %scan3A_250, %mul3A_585 : i32
      %add3A_587 = arith.constant 11 : i32
      %add3A_588 = arith.addi %mul3A_586, %add3A_587 : i32
      %gt3A_589 = arith.constant 0 : i32
      %gt3A_590 = arith.cmpi sgt, %scan3A_250, %gt3A_589 : i32
      %convert_element_type3A_591 = arith.extui %gt3A_590 : i1 to i32
      %cond3A_592 = arith.constant 0 : i32
      %cond3A_593 = arith.cmpi ne, %convert_element_type3A_591, %cond3A_592 : i32
      scf.if %cond3A_593 {
        %sub3A = arith.constant 16 : i32
        %sub3A_727 = arith.subi %add3A_588, %sub3A : i32
        %add3A_728 = arith.addi %mul3A_2, %sub3A_727 : i32
        %dma_wait3A_729 = arith.constant 0 : i32
        %dma_wait3A_730 = arith.constant 0 : i32
        %dma_wait3A_731 = tpu.memref_slice %arg6[%dma_wait3A_729, %dma_wait3A_730] : memref<9x5120xf32, #tpu.memory_space<vmem>> -> memref<1x5120xf32, #tpu.memory_space<vmem>>
        %dma_wait3A_732 = tpu.memref_squeeze %dma_wait3A_731 : memref<1x5120xf32, #tpu.memory_space<vmem>> -> memref<5120xf32, #tpu.memory_space<vmem>>
        %dma_wait3A_733 = arith.constant 0 : i32
        %dma_wait3A_734 = tpu.memref_slice %arg4[%add3A_728, %dma_wait3A_733] : memref<16384x5120xf32, #tpu.memory_space<hbm>> -> memref<1x5120xf32, #tpu.memory_space<hbm>>
        %dma_wait3A_735 = tpu.memref_squeeze %dma_wait3A_734 : memref<1x5120xf32, #tpu.memory_space<hbm>> -> memref<5120xf32, #tpu.memory_space<hbm>>
        %dma_wait3A_736 = arith.constant 0 : i32
        %dma_wait3A_737 = tpu.memref_slice %arg4[%add3A_728, %dma_wait3A_736] : memref<16384x5120xf32, #tpu.memory_space<hbm>> -> memref<1x5120xf32, #tpu.memory_space<hbm>>
        %dma_wait3A_738 = tpu.memref_squeeze %dma_wait3A_737 : memref<1x5120xf32, #tpu.memory_space<hbm>> -> memref<5120xf32, #tpu.memory_space<hbm>>
        %dma_wait3A_739 = arith.constant 0 : i32
        %dma_wait3A_740 = tpu.memref_slice %arg6[%dma_wait3A_729, %dma_wait3A_739] : memref<9x5120xf32, #tpu.memory_space<vmem>> -> memref<1x5120xf32, #tpu.memory_space<vmem>>
        %dma_wait3A_741 = tpu.memref_squeeze %dma_wait3A_740 : memref<1x5120xf32, #tpu.memory_space<vmem>> -> memref<5120xf32, #tpu.memory_space<vmem>>
        tpu.wait_dma2 semaphore(%arg18 : memref<!tpu.dma_semaphore, #tpu.memory_space<semaphore_mem>>) src(%dma_wait3A_741 : memref<5120xf32, #tpu.memory_space<vmem>>) dst(%dma_wait3A_738 : memref<5120xf32, #tpu.memory_space<hbm>>)
      } else {
      }
      %add3A_594 = arith.addi %mul3A_2, %add3A_588 : i32
      %dma_start3A_595 = arith.constant 0 : i32
      %dma_start3A_596 = tpu.memref_slice %arg6[%reduce_sum3A_584, %dma_start3A_595] : memref<9x5120xf32, #tpu.memory_space<vmem>> -> memref<1x5120xf32, #tpu.memory_space<vmem>>
      %dma_start3A_597 = tpu.memref_squeeze %dma_start3A_596 : memref<1x5120xf32, #tpu.memory_space<vmem>> -> memref<5120xf32, #tpu.memory_space<vmem>>
      %dma_start3A_598 = arith.constant 0 : i32
      %dma_start3A_599 = tpu.memref_slice %arg4[%add3A_594, %dma_start3A_598] : memref<16384x5120xf32, #tpu.memory_space<hbm>> -> memref<1x5120xf32, #tpu.memory_space<hbm>>
      %dma_start3A_600 = tpu.memref_squeeze %dma_start3A_599 : memref<1x5120xf32, #tpu.memory_space<hbm>> -> memref<5120xf32, #tpu.memory_space<hbm>>
      %dma_start3A_601 = arith.constant 0 : i32
      %dma_start3A_602 = tpu.memref_slice %arg4[%add3A_594, %dma_start3A_601] : memref<16384x5120xf32, #tpu.memory_space<hbm>> -> memref<1x5120xf32, #tpu.memory_space<hbm>>
      %dma_start3A_603 = tpu.memref_squeeze %dma_start3A_602 : memref<1x5120xf32, #tpu.memory_space<hbm>> -> memref<5120xf32, #tpu.memory_space<hbm>>
      %dma_start3A_604 = arith.constant 0 : i32
      %dma_start3A_605 = tpu.memref_slice %arg6[%reduce_sum3A_584, %dma_start3A_604] : memref<9x5120xf32, #tpu.memory_space<vmem>> -> memref<1x5120xf32, #tpu.memory_space<vmem>>
      %dma_start3A_606 = tpu.memref_squeeze %dma_start3A_605 : memref<1x5120xf32, #tpu.memory_space<vmem>> -> memref<5120xf32, #tpu.memory_space<vmem>>
      tpu.enqueue_dma source(%dma_start3A_606 : memref<5120xf32, #tpu.memory_space<vmem>>) target(%dma_start3A_603 : memref<5120xf32, #tpu.memory_space<hbm>>) target_semaphore(%arg18 : memref<!tpu.dma_semaphore, #tpu.memory_space<semaphore_mem>>)
      %eq3A_607 = arith.constant 12 : i32
      %eq3A_608 = vector.broadcast %eq3A_607 : i32 to vector<16xi32>
      %eq3A_609 = arith.cmpi eq, %iota3A, %eq3A_608 : vector<16xi32>
      %select_n3A_610 = arith.select %eq3A_609, %get3A_253, %mul3A_5 : vector<16xi1>, vector<16xi32>
      %reduce_sum3A_611 = arith.constant true
      %reduce_sum3A_612 = vector.broadcast %reduce_sum3A_611 : i1 to vector<16xi1>
      %reduce_sum3A_613 = tpu.scan <sum>, %select_n3A_610 masked %reduce_sum3A_612 : vector<16xi32>, vector<16xi1> -> vector<16xi32>
      %reduce_sum3A_614 = vector.extract %reduce_sum3A_613[15] : i32 from vector<16xi32>
      %mul3A_615 = arith.constant 16 : i32
      %mul3A_616 = arith.muli %scan3A_250, %mul3A_615 : i32
      %add3A_617 = arith.constant 12 : i32
      %add3A_618 = arith.addi %mul3A_616, %add3A_617 : i32
      %gt3A_619 = arith.constant 0 : i32
      %gt3A_620 = arith.cmpi sgt, %scan3A_250, %gt3A_619 : i32
      %convert_element_type3A_621 = arith.extui %gt3A_620 : i1 to i32
      %cond3A_622 = arith.constant 0 : i32
      %cond3A_623 = arith.cmpi ne, %convert_element_type3A_621, %cond3A_622 : i32
      scf.if %cond3A_623 {
        %sub3A = arith.constant 16 : i32
        %sub3A_727 = arith.subi %add3A_618, %sub3A : i32
        %add3A_728 = arith.addi %mul3A_2, %sub3A_727 : i32
        %dma_wait3A_729 = arith.constant 0 : i32
        %dma_wait3A_730 = arith.constant 0 : i32
        %dma_wait3A_731 = tpu.memref_slice %arg6[%dma_wait3A_729, %dma_wait3A_730] : memref<9x5120xf32, #tpu.memory_space<vmem>> -> memref<1x5120xf32, #tpu.memory_space<vmem>>
        %dma_wait3A_732 = tpu.memref_squeeze %dma_wait3A_731 : memref<1x5120xf32, #tpu.memory_space<vmem>> -> memref<5120xf32, #tpu.memory_space<vmem>>
        %dma_wait3A_733 = arith.constant 0 : i32
        %dma_wait3A_734 = tpu.memref_slice %arg4[%add3A_728, %dma_wait3A_733] : memref<16384x5120xf32, #tpu.memory_space<hbm>> -> memref<1x5120xf32, #tpu.memory_space<hbm>>
        %dma_wait3A_735 = tpu.memref_squeeze %dma_wait3A_734 : memref<1x5120xf32, #tpu.memory_space<hbm>> -> memref<5120xf32, #tpu.memory_space<hbm>>
        %dma_wait3A_736 = arith.constant 0 : i32
        %dma_wait3A_737 = tpu.memref_slice %arg4[%add3A_728, %dma_wait3A_736] : memref<16384x5120xf32, #tpu.memory_space<hbm>> -> memref<1x5120xf32, #tpu.memory_space<hbm>>
        %dma_wait3A_738 = tpu.memref_squeeze %dma_wait3A_737 : memref<1x5120xf32, #tpu.memory_space<hbm>> -> memref<5120xf32, #tpu.memory_space<hbm>>
        %dma_wait3A_739 = arith.constant 0 : i32
        %dma_wait3A_740 = tpu.memref_slice %arg6[%dma_wait3A_729, %dma_wait3A_739] : memref<9x5120xf32, #tpu.memory_space<vmem>> -> memref<1x5120xf32, #tpu.memory_space<vmem>>
        %dma_wait3A_741 = tpu.memref_squeeze %dma_wait3A_740 : memref<1x5120xf32, #tpu.memory_space<vmem>> -> memref<5120xf32, #tpu.memory_space<vmem>>
        tpu.wait_dma2 semaphore(%arg19 : memref<!tpu.dma_semaphore, #tpu.memory_space<semaphore_mem>>) src(%dma_wait3A_741 : memref<5120xf32, #tpu.memory_space<vmem>>) dst(%dma_wait3A_738 : memref<5120xf32, #tpu.memory_space<hbm>>)
      } else {
      }
      %add3A_624 = arith.addi %mul3A_2, %add3A_618 : i32
      %dma_start3A_625 = arith.constant 0 : i32
      %dma_start3A_626 = tpu.memref_slice %arg6[%reduce_sum3A_614, %dma_start3A_625] : memref<9x5120xf32, #tpu.memory_space<vmem>> -> memref<1x5120xf32, #tpu.memory_space<vmem>>
      %dma_start3A_627 = tpu.memref_squeeze %dma_start3A_626 : memref<1x5120xf32, #tpu.memory_space<vmem>> -> memref<5120xf32, #tpu.memory_space<vmem>>
      %dma_start3A_628 = arith.constant 0 : i32
      %dma_start3A_629 = tpu.memref_slice %arg4[%add3A_624, %dma_start3A_628] : memref<16384x5120xf32, #tpu.memory_space<hbm>> -> memref<1x5120xf32, #tpu.memory_space<hbm>>
      %dma_start3A_630 = tpu.memref_squeeze %dma_start3A_629 : memref<1x5120xf32, #tpu.memory_space<hbm>> -> memref<5120xf32, #tpu.memory_space<hbm>>
      %dma_start3A_631 = arith.constant 0 : i32
      %dma_start3A_632 = tpu.memref_slice %arg4[%add3A_624, %dma_start3A_631] : memref<16384x5120xf32, #tpu.memory_space<hbm>> -> memref<1x5120xf32, #tpu.memory_space<hbm>>
      %dma_start3A_633 = tpu.memref_squeeze %dma_start3A_632 : memref<1x5120xf32, #tpu.memory_space<hbm>> -> memref<5120xf32, #tpu.memory_space<hbm>>
      %dma_start3A_634 = arith.constant 0 : i32
      %dma_start3A_635 = tpu.memref_slice %arg6[%reduce_sum3A_614, %dma_start3A_634] : memref<9x5120xf32, #tpu.memory_space<vmem>> -> memref<1x5120xf32, #tpu.memory_space<vmem>>
      %dma_start3A_636 = tpu.memref_squeeze %dma_start3A_635 : memref<1x5120xf32, #tpu.memory_space<vmem>> -> memref<5120xf32, #tpu.memory_space<vmem>>
      tpu.enqueue_dma source(%dma_start3A_636 : memref<5120xf32, #tpu.memory_space<vmem>>) target(%dma_start3A_633 : memref<5120xf32, #tpu.memory_space<hbm>>) target_semaphore(%arg19 : memref<!tpu.dma_semaphore, #tpu.memory_space<semaphore_mem>>)
      %eq3A_637 = arith.constant 13 : i32
      %eq3A_638 = vector.broadcast %eq3A_637 : i32 to vector<16xi32>
      %eq3A_639 = arith.cmpi eq, %iota3A, %eq3A_638 : vector<16xi32>
      %select_n3A_640 = arith.select %eq3A_639, %get3A_253, %mul3A_5 : vector<16xi1>, vector<16xi32>
      %reduce_sum3A_641 = arith.constant true
      %reduce_sum3A_642 = vector.broadcast %reduce_sum3A_641 : i1 to vector<16xi1>
      %reduce_sum3A_643 = tpu.scan <sum>, %select_n3A_640 masked %reduce_sum3A_642 : vector<16xi32>, vector<16xi1> -> vector<16xi32>
      %reduce_sum3A_644 = vector.extract %reduce_sum3A_643[15] : i32 from vector<16xi32>
      %mul3A_645 = arith.constant 16 : i32
      %mul3A_646 = arith.muli %scan3A_250, %mul3A_645 : i32
      %add3A_647 = arith.constant 13 : i32
      %add3A_648 = arith.addi %mul3A_646, %add3A_647 : i32
      %gt3A_649 = arith.constant 0 : i32
      %gt3A_650 = arith.cmpi sgt, %scan3A_250, %gt3A_649 : i32
      %convert_element_type3A_651 = arith.extui %gt3A_650 : i1 to i32
      %cond3A_652 = arith.constant 0 : i32
      %cond3A_653 = arith.cmpi ne, %convert_element_type3A_651, %cond3A_652 : i32
      scf.if %cond3A_653 {
        %sub3A = arith.constant 16 : i32
        %sub3A_727 = arith.subi %add3A_648, %sub3A : i32
        %add3A_728 = arith.addi %mul3A_2, %sub3A_727 : i32
        %dma_wait3A_729 = arith.constant 0 : i32
        %dma_wait3A_730 = arith.constant 0 : i32
        %dma_wait3A_731 = tpu.memref_slice %arg6[%dma_wait3A_729, %dma_wait3A_730] : memref<9x5120xf32, #tpu.memory_space<vmem>> -> memref<1x5120xf32, #tpu.memory_space<vmem>>
        %dma_wait3A_732 = tpu.memref_squeeze %dma_wait3A_731 : memref<1x5120xf32, #tpu.memory_space<vmem>> -> memref<5120xf32, #tpu.memory_space<vmem>>
        %dma_wait3A_733 = arith.constant 0 : i32
        %dma_wait3A_734 = tpu.memref_slice %arg4[%add3A_728, %dma_wait3A_733] : memref<16384x5120xf32, #tpu.memory_space<hbm>> -> memref<1x5120xf32, #tpu.memory_space<hbm>>
        %dma_wait3A_735 = tpu.memref_squeeze %dma_wait3A_734 : memref<1x5120xf32, #tpu.memory_space<hbm>> -> memref<5120xf32, #tpu.memory_space<hbm>>
        %dma_wait3A_736 = arith.constant 0 : i32
        %dma_wait3A_737 = tpu.memref_slice %arg4[%add3A_728, %dma_wait3A_736] : memref<16384x5120xf32, #tpu.memory_space<hbm>> -> memref<1x5120xf32, #tpu.memory_space<hbm>>
        %dma_wait3A_738 = tpu.memref_squeeze %dma_wait3A_737 : memref<1x5120xf32, #tpu.memory_space<hbm>> -> memref<5120xf32, #tpu.memory_space<hbm>>
        %dma_wait3A_739 = arith.constant 0 : i32
        %dma_wait3A_740 = tpu.memref_slice %arg6[%dma_wait3A_729, %dma_wait3A_739] : memref<9x5120xf32, #tpu.memory_space<vmem>> -> memref<1x5120xf32, #tpu.memory_space<vmem>>
        %dma_wait3A_741 = tpu.memref_squeeze %dma_wait3A_740 : memref<1x5120xf32, #tpu.memory_space<vmem>> -> memref<5120xf32, #tpu.memory_space<vmem>>
        tpu.wait_dma2 semaphore(%arg20 : memref<!tpu.dma_semaphore, #tpu.memory_space<semaphore_mem>>) src(%dma_wait3A_741 : memref<5120xf32, #tpu.memory_space<vmem>>) dst(%dma_wait3A_738 : memref<5120xf32, #tpu.memory_space<hbm>>)
      } else {
      }
      %add3A_654 = arith.addi %mul3A_2, %add3A_648 : i32
      %dma_start3A_655 = arith.constant 0 : i32
      %dma_start3A_656 = tpu.memref_slice %arg6[%reduce_sum3A_644, %dma_start3A_655] : memref<9x5120xf32, #tpu.memory_space<vmem>> -> memref<1x5120xf32, #tpu.memory_space<vmem>>
      %dma_start3A_657 = tpu.memref_squeeze %dma_start3A_656 : memref<1x5120xf32, #tpu.memory_space<vmem>> -> memref<5120xf32, #tpu.memory_space<vmem>>
      %dma_start3A_658 = arith.constant 0 : i32
      %dma_start3A_659 = tpu.memref_slice %arg4[%add3A_654, %dma_start3A_658] : memref<16384x5120xf32, #tpu.memory_space<hbm>> -> memref<1x5120xf32, #tpu.memory_space<hbm>>
      %dma_start3A_660 = tpu.memref_squeeze %dma_start3A_659 : memref<1x5120xf32, #tpu.memory_space<hbm>> -> memref<5120xf32, #tpu.memory_space<hbm>>
      %dma_start3A_661 = arith.constant 0 : i32
      %dma_start3A_662 = tpu.memref_slice %arg4[%add3A_654, %dma_start3A_661] : memref<16384x5120xf32, #tpu.memory_space<hbm>> -> memref<1x5120xf32, #tpu.memory_space<hbm>>
      %dma_start3A_663 = tpu.memref_squeeze %dma_start3A_662 : memref<1x5120xf32, #tpu.memory_space<hbm>> -> memref<5120xf32, #tpu.memory_space<hbm>>
      %dma_start3A_664 = arith.constant 0 : i32
      %dma_start3A_665 = tpu.memref_slice %arg6[%reduce_sum3A_644, %dma_start3A_664] : memref<9x5120xf32, #tpu.memory_space<vmem>> -> memref<1x5120xf32, #tpu.memory_space<vmem>>
      %dma_start3A_666 = tpu.memref_squeeze %dma_start3A_665 : memref<1x5120xf32, #tpu.memory_space<vmem>> -> memref<5120xf32, #tpu.memory_space<vmem>>
      tpu.enqueue_dma source(%dma_start3A_666 : memref<5120xf32, #tpu.memory_space<vmem>>) target(%dma_start3A_663 : memref<5120xf32, #tpu.memory_space<hbm>>) target_semaphore(%arg20 : memref<!tpu.dma_semaphore, #tpu.memory_space<semaphore_mem>>)
      %eq3A_667 = arith.constant 14 : i32
      %eq3A_668 = vector.broadcast %eq3A_667 : i32 to vector<16xi32>
      %eq3A_669 = arith.cmpi eq, %iota3A, %eq3A_668 : vector<16xi32>
      %select_n3A_670 = arith.select %eq3A_669, %get3A_253, %mul3A_5 : vector<16xi1>, vector<16xi32>
      %reduce_sum3A_671 = arith.constant true
      %reduce_sum3A_672 = vector.broadcast %reduce_sum3A_671 : i1 to vector<16xi1>
      %reduce_sum3A_673 = tpu.scan <sum>, %select_n3A_670 masked %reduce_sum3A_672 : vector<16xi32>, vector<16xi1> -> vector<16xi32>
      %reduce_sum3A_674 = vector.extract %reduce_sum3A_673[15] : i32 from vector<16xi32>
      %mul3A_675 = arith.constant 16 : i32
      %mul3A_676 = arith.muli %scan3A_250, %mul3A_675 : i32
      %add3A_677 = arith.constant 14 : i32
      %add3A_678 = arith.addi %mul3A_676, %add3A_677 : i32
      %gt3A_679 = arith.constant 0 : i32
      %gt3A_680 = arith.cmpi sgt, %scan3A_250, %gt3A_679 : i32
      %convert_element_type3A_681 = arith.extui %gt3A_680 : i1 to i32
      %cond3A_682 = arith.constant 0 : i32
      %cond3A_683 = arith.cmpi ne, %convert_element_type3A_681, %cond3A_682 : i32
      scf.if %cond3A_683 {
        %sub3A = arith.constant 16 : i32
        %sub3A_727 = arith.subi %add3A_678, %sub3A : i32
        %add3A_728 = arith.addi %mul3A_2, %sub3A_727 : i32
        %dma_wait3A_729 = arith.constant 0 : i32
        %dma_wait3A_730 = arith.constant 0 : i32
        %dma_wait3A_731 = tpu.memref_slice %arg6[%dma_wait3A_729, %dma_wait3A_730] : memref<9x5120xf32, #tpu.memory_space<vmem>> -> memref<1x5120xf32, #tpu.memory_space<vmem>>
        %dma_wait3A_732 = tpu.memref_squeeze %dma_wait3A_731 : memref<1x5120xf32, #tpu.memory_space<vmem>> -> memref<5120xf32, #tpu.memory_space<vmem>>
        %dma_wait3A_733 = arith.constant 0 : i32
        %dma_wait3A_734 = tpu.memref_slice %arg4[%add3A_728, %dma_wait3A_733] : memref<16384x5120xf32, #tpu.memory_space<hbm>> -> memref<1x5120xf32, #tpu.memory_space<hbm>>
        %dma_wait3A_735 = tpu.memref_squeeze %dma_wait3A_734 : memref<1x5120xf32, #tpu.memory_space<hbm>> -> memref<5120xf32, #tpu.memory_space<hbm>>
        %dma_wait3A_736 = arith.constant 0 : i32
        %dma_wait3A_737 = tpu.memref_slice %arg4[%add3A_728, %dma_wait3A_736] : memref<16384x5120xf32, #tpu.memory_space<hbm>> -> memref<1x5120xf32, #tpu.memory_space<hbm>>
        %dma_wait3A_738 = tpu.memref_squeeze %dma_wait3A_737 : memref<1x5120xf32, #tpu.memory_space<hbm>> -> memref<5120xf32, #tpu.memory_space<hbm>>
        %dma_wait3A_739 = arith.constant 0 : i32
        %dma_wait3A_740 = tpu.memref_slice %arg6[%dma_wait3A_729, %dma_wait3A_739] : memref<9x5120xf32, #tpu.memory_space<vmem>> -> memref<1x5120xf32, #tpu.memory_space<vmem>>
        %dma_wait3A_741 = tpu.memref_squeeze %dma_wait3A_740 : memref<1x5120xf32, #tpu.memory_space<vmem>> -> memref<5120xf32, #tpu.memory_space<vmem>>
        tpu.wait_dma2 semaphore(%arg21 : memref<!tpu.dma_semaphore, #tpu.memory_space<semaphore_mem>>) src(%dma_wait3A_741 : memref<5120xf32, #tpu.memory_space<vmem>>) dst(%dma_wait3A_738 : memref<5120xf32, #tpu.memory_space<hbm>>)
      } else {
      }
      %add3A_684 = arith.addi %mul3A_2, %add3A_678 : i32
      %dma_start3A_685 = arith.constant 0 : i32
      %dma_start3A_686 = tpu.memref_slice %arg6[%reduce_sum3A_674, %dma_start3A_685] : memref<9x5120xf32, #tpu.memory_space<vmem>> -> memref<1x5120xf32, #tpu.memory_space<vmem>>
      %dma_start3A_687 = tpu.memref_squeeze %dma_start3A_686 : memref<1x5120xf32, #tpu.memory_space<vmem>> -> memref<5120xf32, #tpu.memory_space<vmem>>
      %dma_start3A_688 = arith.constant 0 : i32
      %dma_start3A_689 = tpu.memref_slice %arg4[%add3A_684, %dma_start3A_688] : memref<16384x5120xf32, #tpu.memory_space<hbm>> -> memref<1x5120xf32, #tpu.memory_space<hbm>>
      %dma_start3A_690 = tpu.memref_squeeze %dma_start3A_689 : memref<1x5120xf32, #tpu.memory_space<hbm>> -> memref<5120xf32, #tpu.memory_space<hbm>>
      %dma_start3A_691 = arith.constant 0 : i32
      %dma_start3A_692 = tpu.memref_slice %arg4[%add3A_684, %dma_start3A_691] : memref<16384x5120xf32, #tpu.memory_space<hbm>> -> memref<1x5120xf32, #tpu.memory_space<hbm>>
      %dma_start3A_693 = tpu.memref_squeeze %dma_start3A_692 : memref<1x5120xf32, #tpu.memory_space<hbm>> -> memref<5120xf32, #tpu.memory_space<hbm>>
      %dma_start3A_694 = arith.constant 0 : i32
      %dma_start3A_695 = tpu.memref_slice %arg6[%reduce_sum3A_674, %dma_start3A_694] : memref<9x5120xf32, #tpu.memory_space<vmem>> -> memref<1x5120xf32, #tpu.memory_space<vmem>>
      %dma_start3A_696 = tpu.memref_squeeze %dma_start3A_695 : memref<1x5120xf32, #tpu.memory_space<vmem>> -> memref<5120xf32, #tpu.memory_space<vmem>>
      tpu.enqueue_dma source(%dma_start3A_696 : memref<5120xf32, #tpu.memory_space<vmem>>) target(%dma_start3A_693 : memref<5120xf32, #tpu.memory_space<hbm>>) target_semaphore(%arg21 : memref<!tpu.dma_semaphore, #tpu.memory_space<semaphore_mem>>)
      %eq3A_697 = arith.constant 15 : i32
      %eq3A_698 = vector.broadcast %eq3A_697 : i32 to vector<16xi32>
      %eq3A_699 = arith.cmpi eq, %iota3A, %eq3A_698 : vector<16xi32>
      %select_n3A_700 = arith.select %eq3A_699, %get3A_253, %mul3A_5 : vector<16xi1>, vector<16xi32>
      %reduce_sum3A_701 = arith.constant true
      %reduce_sum3A_702 = vector.broadcast %reduce_sum3A_701 : i1 to vector<16xi1>
      %reduce_sum3A_703 = tpu.scan <sum>, %select_n3A_700 masked %reduce_sum3A_702 : vector<16xi32>, vector<16xi1> -> vector<16xi32>
      %reduce_sum3A_704 = vector.extract %reduce_sum3A_703[15] : i32 from vector<16xi32>
      %mul3A_705 = arith.constant 16 : i32
      %mul3A_706 = arith.muli %scan3A_250, %mul3A_705 : i32
      %add3A_707 = arith.constant 15 : i32
      %add3A_708 = arith.addi %mul3A_706, %add3A_707 : i32
      %gt3A_709 = arith.constant 0 : i32
      %gt3A_710 = arith.cmpi sgt, %scan3A_250, %gt3A_709 : i32
      %convert_element_type3A_711 = arith.extui %gt3A_710 : i1 to i32
      %cond3A_712 = arith.constant 0 : i32
      %cond3A_713 = arith.cmpi ne, %convert_element_type3A_711, %cond3A_712 : i32
      scf.if %cond3A_713 {
        %sub3A = arith.constant 16 : i32
        %sub3A_727 = arith.subi %add3A_708, %sub3A : i32
        %add3A_728 = arith.addi %mul3A_2, %sub3A_727 : i32
        %dma_wait3A_729 = arith.constant 0 : i32
        %dma_wait3A_730 = arith.constant 0 : i32
        %dma_wait3A_731 = tpu.memref_slice %arg6[%dma_wait3A_729, %dma_wait3A_730] : memref<9x5120xf32, #tpu.memory_space<vmem>> -> memref<1x5120xf32, #tpu.memory_space<vmem>>
        %dma_wait3A_732 = tpu.memref_squeeze %dma_wait3A_731 : memref<1x5120xf32, #tpu.memory_space<vmem>> -> memref<5120xf32, #tpu.memory_space<vmem>>
        %dma_wait3A_733 = arith.constant 0 : i32
        %dma_wait3A_734 = tpu.memref_slice %arg4[%add3A_728, %dma_wait3A_733] : memref<16384x5120xf32, #tpu.memory_space<hbm>> -> memref<1x5120xf32, #tpu.memory_space<hbm>>
        %dma_wait3A_735 = tpu.memref_squeeze %dma_wait3A_734 : memref<1x5120xf32, #tpu.memory_space<hbm>> -> memref<5120xf32, #tpu.memory_space<hbm>>
        %dma_wait3A_736 = arith.constant 0 : i32
        %dma_wait3A_737 = tpu.memref_slice %arg4[%add3A_728, %dma_wait3A_736] : memref<16384x5120xf32, #tpu.memory_space<hbm>> -> memref<1x5120xf32, #tpu.memory_space<hbm>>
        %dma_wait3A_738 = tpu.memref_squeeze %dma_wait3A_737 : memref<1x5120xf32, #tpu.memory_space<hbm>> -> memref<5120xf32, #tpu.memory_space<hbm>>
        %dma_wait3A_739 = arith.constant 0 : i32
        %dma_wait3A_740 = tpu.memref_slice %arg6[%dma_wait3A_729, %dma_wait3A_739] : memref<9x5120xf32, #tpu.memory_space<vmem>> -> memref<1x5120xf32, #tpu.memory_space<vmem>>
        %dma_wait3A_741 = tpu.memref_squeeze %dma_wait3A_740 : memref<1x5120xf32, #tpu.memory_space<vmem>> -> memref<5120xf32, #tpu.memory_space<vmem>>
        tpu.wait_dma2 semaphore(%arg22 : memref<!tpu.dma_semaphore, #tpu.memory_space<semaphore_mem>>) src(%dma_wait3A_741 : memref<5120xf32, #tpu.memory_space<vmem>>) dst(%dma_wait3A_738 : memref<5120xf32, #tpu.memory_space<hbm>>)
      } else {
      }
      %add3A_714 = arith.addi %mul3A_2, %add3A_708 : i32
      %dma_start3A_715 = arith.constant 0 : i32
      %dma_start3A_716 = tpu.memref_slice %arg6[%reduce_sum3A_704, %dma_start3A_715] : memref<9x5120xf32, #tpu.memory_space<vmem>> -> memref<1x5120xf32, #tpu.memory_space<vmem>>
      %dma_start3A_717 = tpu.memref_squeeze %dma_start3A_716 : memref<1x5120xf32, #tpu.memory_space<vmem>> -> memref<5120xf32, #tpu.memory_space<vmem>>
      %dma_start3A_718 = arith.constant 0 : i32
      %dma_start3A_719 = tpu.memref_slice %arg4[%add3A_714, %dma_start3A_718] : memref<16384x5120xf32, #tpu.memory_space<hbm>> -> memref<1x5120xf32, #tpu.memory_space<hbm>>
      %dma_start3A_720 = tpu.memref_squeeze %dma_start3A_719 : memref<1x5120xf32, #tpu.memory_space<hbm>> -> memref<5120xf32, #tpu.memory_space<hbm>>
      %dma_start3A_721 = arith.constant 0 : i32
      %dma_start3A_722 = tpu.memref_slice %arg4[%add3A_714, %dma_start3A_721] : memref<16384x5120xf32, #tpu.memory_space<hbm>> -> memref<1x5120xf32, #tpu.memory_space<hbm>>
      %dma_start3A_723 = tpu.memref_squeeze %dma_start3A_722 : memref<1x5120xf32, #tpu.memory_space<hbm>> -> memref<5120xf32, #tpu.memory_space<hbm>>
      %dma_start3A_724 = arith.constant 0 : i32
      %dma_start3A_725 = tpu.memref_slice %arg6[%reduce_sum3A_704, %dma_start3A_724] : memref<9x5120xf32, #tpu.memory_space<vmem>> -> memref<1x5120xf32, #tpu.memory_space<vmem>>
      %dma_start3A_726 = tpu.memref_squeeze %dma_start3A_725 : memref<1x5120xf32, #tpu.memory_space<vmem>> -> memref<5120xf32, #tpu.memory_space<vmem>>
      tpu.enqueue_dma source(%dma_start3A_726 : memref<5120xf32, #tpu.memory_space<vmem>>) target(%dma_start3A_723 : memref<5120xf32, #tpu.memory_space<hbm>>) target_semaphore(%arg22 : memref<!tpu.dma_semaphore, #tpu.memory_space<semaphore_mem>>)
    }
    %scan3A_10 = arith.constant 32 : i32
    %add3A_11 = arith.constant 496 : i32
    %add3A_12 = arith.addi %mul3A_2, %add3A_11 : i32
    %dma_wait3A = arith.constant 0 : i32
    %dma_wait3A_13 = arith.constant 0 : i32
    %dma_wait3A_14 = tpu.memref_slice %arg6[%dma_wait3A, %dma_wait3A_13] : memref<9x5120xf32, #tpu.memory_space<vmem>> -> memref<1x5120xf32, #tpu.memory_space<vmem>>
    %dma_wait3A_15 = tpu.memref_squeeze %dma_wait3A_14 : memref<1x5120xf32, #tpu.memory_space<vmem>> -> memref<5120xf32, #tpu.memory_space<vmem>>
    %dma_wait3A_16 = arith.constant 0 : i32
    %dma_wait3A_17 = tpu.memref_slice %arg4[%add3A_12, %dma_wait3A_16] : memref<16384x5120xf32, #tpu.memory_space<hbm>> -> memref<1x5120xf32, #tpu.memory_space<hbm>>
    %dma_wait3A_18 = tpu.memref_squeeze %dma_wait3A_17 : memref<1x5120xf32, #tpu.memory_space<hbm>> -> memref<5120xf32, #tpu.memory_space<hbm>>
    %dma_wait3A_19 = arith.constant 0 : i32
    %dma_wait3A_20 = tpu.memref_slice %arg4[%add3A_12, %dma_wait3A_19] : memref<16384x5120xf32, #tpu.memory_space<hbm>> -> memref<1x5120xf32, #tpu.memory_space<hbm>>
    %dma_wait3A_21 = tpu.memref_squeeze %dma_wait3A_20 : memref<1x5120xf32, #tpu.memory_space<hbm>> -> memref<5120xf32, #tpu.memory_space<hbm>>
    %dma_wait3A_22 = arith.constant 0 : i32
    %dma_wait3A_23 = tpu.memref_slice %arg6[%dma_wait3A, %dma_wait3A_22] : memref<9x5120xf32, #tpu.memory_space<vmem>> -> memref<1x5120xf32, #tpu.memory_space<vmem>>
    %dma_wait3A_24 = tpu.memref_squeeze %dma_wait3A_23 : memref<1x5120xf32, #tpu.memory_space<vmem>> -> memref<5120xf32, #tpu.memory_space<vmem>>
    tpu.wait_dma2 semaphore(%arg7 : memref<!tpu.dma_semaphore, #tpu.memory_space<semaphore_mem>>) src(%dma_wait3A_24 : memref<5120xf32, #tpu.memory_space<vmem>>) dst(%dma_wait3A_21 : memref<5120xf32, #tpu.memory_space<hbm>>)
    %add3A_25 = arith.constant 497 : i32
    %add3A_26 = arith.addi %mul3A_2, %add3A_25 : i32
    %dma_wait3A_27 = arith.constant 0 : i32
    %dma_wait3A_28 = arith.constant 0 : i32
    %dma_wait3A_29 = tpu.memref_slice %arg6[%dma_wait3A_27, %dma_wait3A_28] : memref<9x5120xf32, #tpu.memory_space<vmem>> -> memref<1x5120xf32, #tpu.memory_space<vmem>>
    %dma_wait3A_30 = tpu.memref_squeeze %dma_wait3A_29 : memref<1x5120xf32, #tpu.memory_space<vmem>> -> memref<5120xf32, #tpu.memory_space<vmem>>
    %dma_wait3A_31 = arith.constant 0 : i32
    %dma_wait3A_32 = tpu.memref_slice %arg4[%add3A_26, %dma_wait3A_31] : memref<16384x5120xf32, #tpu.memory_space<hbm>> -> memref<1x5120xf32, #tpu.memory_space<hbm>>
    %dma_wait3A_33 = tpu.memref_squeeze %dma_wait3A_32 : memref<1x5120xf32, #tpu.memory_space<hbm>> -> memref<5120xf32, #tpu.memory_space<hbm>>
    %dma_wait3A_34 = arith.constant 0 : i32
    %dma_wait3A_35 = tpu.memref_slice %arg4[%add3A_26, %dma_wait3A_34] : memref<16384x5120xf32, #tpu.memory_space<hbm>> -> memref<1x5120xf32, #tpu.memory_space<hbm>>
    %dma_wait3A_36 = tpu.memref_squeeze %dma_wait3A_35 : memref<1x5120xf32, #tpu.memory_space<hbm>> -> memref<5120xf32, #tpu.memory_space<hbm>>
    %dma_wait3A_37 = arith.constant 0 : i32
    %dma_wait3A_38 = tpu.memref_slice %arg6[%dma_wait3A_27, %dma_wait3A_37] : memref<9x5120xf32, #tpu.memory_space<vmem>> -> memref<1x5120xf32, #tpu.memory_space<vmem>>
    %dma_wait3A_39 = tpu.memref_squeeze %dma_wait3A_38 : memref<1x5120xf32, #tpu.memory_space<vmem>> -> memref<5120xf32, #tpu.memory_space<vmem>>
    tpu.wait_dma2 semaphore(%arg8 : memref<!tpu.dma_semaphore, #tpu.memory_space<semaphore_mem>>) src(%dma_wait3A_39 : memref<5120xf32, #tpu.memory_space<vmem>>) dst(%dma_wait3A_36 : memref<5120xf32, #tpu.memory_space<hbm>>)
    %add3A_40 = arith.constant 498 : i32
    %add3A_41 = arith.addi %mul3A_2, %add3A_40 : i32
    %dma_wait3A_42 = arith.constant 0 : i32
    %dma_wait3A_43 = arith.constant 0 : i32
    %dma_wait3A_44 = tpu.memref_slice %arg6[%dma_wait3A_42, %dma_wait3A_43] : memref<9x5120xf32, #tpu.memory_space<vmem>> -> memref<1x5120xf32, #tpu.memory_space<vmem>>
    %dma_wait3A_45 = tpu.memref_squeeze %dma_wait3A_44 : memref<1x5120xf32, #tpu.memory_space<vmem>> -> memref<5120xf32, #tpu.memory_space<vmem>>
    %dma_wait3A_46 = arith.constant 0 : i32
    %dma_wait3A_47 = tpu.memref_slice %arg4[%add3A_41, %dma_wait3A_46] : memref<16384x5120xf32, #tpu.memory_space<hbm>> -> memref<1x5120xf32, #tpu.memory_space<hbm>>
    %dma_wait3A_48 = tpu.memref_squeeze %dma_wait3A_47 : memref<1x5120xf32, #tpu.memory_space<hbm>> -> memref<5120xf32, #tpu.memory_space<hbm>>
    %dma_wait3A_49 = arith.constant 0 : i32
    %dma_wait3A_50 = tpu.memref_slice %arg4[%add3A_41, %dma_wait3A_49] : memref<16384x5120xf32, #tpu.memory_space<hbm>> -> memref<1x5120xf32, #tpu.memory_space<hbm>>
    %dma_wait3A_51 = tpu.memref_squeeze %dma_wait3A_50 : memref<1x5120xf32, #tpu.memory_space<hbm>> -> memref<5120xf32, #tpu.memory_space<hbm>>
    %dma_wait3A_52 = arith.constant 0 : i32
    %dma_wait3A_53 = tpu.memref_slice %arg6[%dma_wait3A_42, %dma_wait3A_52] : memref<9x5120xf32, #tpu.memory_space<vmem>> -> memref<1x5120xf32, #tpu.memory_space<vmem>>
    %dma_wait3A_54 = tpu.memref_squeeze %dma_wait3A_53 : memref<1x5120xf32, #tpu.memory_space<vmem>> -> memref<5120xf32, #tpu.memory_space<vmem>>
    tpu.wait_dma2 semaphore(%arg9 : memref<!tpu.dma_semaphore, #tpu.memory_space<semaphore_mem>>) src(%dma_wait3A_54 : memref<5120xf32, #tpu.memory_space<vmem>>) dst(%dma_wait3A_51 : memref<5120xf32, #tpu.memory_space<hbm>>)
    %add3A_55 = arith.constant 499 : i32
    %add3A_56 = arith.addi %mul3A_2, %add3A_55 : i32
    %dma_wait3A_57 = arith.constant 0 : i32
    %dma_wait3A_58 = arith.constant 0 : i32
    %dma_wait3A_59 = tpu.memref_slice %arg6[%dma_wait3A_57, %dma_wait3A_58] : memref<9x5120xf32, #tpu.memory_space<vmem>> -> memref<1x5120xf32, #tpu.memory_space<vmem>>
    %dma_wait3A_60 = tpu.memref_squeeze %dma_wait3A_59 : memref<1x5120xf32, #tpu.memory_space<vmem>> -> memref<5120xf32, #tpu.memory_space<vmem>>
    %dma_wait3A_61 = arith.constant 0 : i32
    %dma_wait3A_62 = tpu.memref_slice %arg4[%add3A_56, %dma_wait3A_61] : memref<16384x5120xf32, #tpu.memory_space<hbm>> -> memref<1x5120xf32, #tpu.memory_space<hbm>>
    %dma_wait3A_63 = tpu.memref_squeeze %dma_wait3A_62 : memref<1x5120xf32, #tpu.memory_space<hbm>> -> memref<5120xf32, #tpu.memory_space<hbm>>
    %dma_wait3A_64 = arith.constant 0 : i32
    %dma_wait3A_65 = tpu.memref_slice %arg4[%add3A_56, %dma_wait3A_64] : memref<16384x5120xf32, #tpu.memory_space<hbm>> -> memref<1x5120xf32, #tpu.memory_space<hbm>>
    %dma_wait3A_66 = tpu.memref_squeeze %dma_wait3A_65 : memref<1x5120xf32, #tpu.memory_space<hbm>> -> memref<5120xf32, #tpu.memory_space<hbm>>
    %dma_wait3A_67 = arith.constant 0 : i32
    %dma_wait3A_68 = tpu.memref_slice %arg6[%dma_wait3A_57, %dma_wait3A_67] : memref<9x5120xf32, #tpu.memory_space<vmem>> -> memref<1x5120xf32, #tpu.memory_space<vmem>>
    %dma_wait3A_69 = tpu.memref_squeeze %dma_wait3A_68 : memref<1x5120xf32, #tpu.memory_space<vmem>> -> memref<5120xf32, #tpu.memory_space<vmem>>
    tpu.wait_dma2 semaphore(%arg10 : memref<!tpu.dma_semaphore, #tpu.memory_space<semaphore_mem>>) src(%dma_wait3A_69 : memref<5120xf32, #tpu.memory_space<vmem>>) dst(%dma_wait3A_66 : memref<5120xf32, #tpu.memory_space<hbm>>)
    %add3A_70 = arith.constant 500 : i32
    %add3A_71 = arith.addi %mul3A_2, %add3A_70 : i32
    %dma_wait3A_72 = arith.constant 0 : i32
    %dma_wait3A_73 = arith.constant 0 : i32
    %dma_wait3A_74 = tpu.memref_slice %arg6[%dma_wait3A_72, %dma_wait3A_73] : memref<9x5120xf32, #tpu.memory_space<vmem>> -> memref<1x5120xf32, #tpu.memory_space<vmem>>
    %dma_wait3A_75 = tpu.memref_squeeze %dma_wait3A_74 : memref<1x5120xf32, #tpu.memory_space<vmem>> -> memref<5120xf32, #tpu.memory_space<vmem>>
    %dma_wait3A_76 = arith.constant 0 : i32
    %dma_wait3A_77 = tpu.memref_slice %arg4[%add3A_71, %dma_wait3A_76] : memref<16384x5120xf32, #tpu.memory_space<hbm>> -> memref<1x5120xf32, #tpu.memory_space<hbm>>
    %dma_wait3A_78 = tpu.memref_squeeze %dma_wait3A_77 : memref<1x5120xf32, #tpu.memory_space<hbm>> -> memref<5120xf32, #tpu.memory_space<hbm>>
    %dma_wait3A_79 = arith.constant 0 : i32
    %dma_wait3A_80 = tpu.memref_slice %arg4[%add3A_71, %dma_wait3A_79] : memref<16384x5120xf32, #tpu.memory_space<hbm>> -> memref<1x5120xf32, #tpu.memory_space<hbm>>
    %dma_wait3A_81 = tpu.memref_squeeze %dma_wait3A_80 : memref<1x5120xf32, #tpu.memory_space<hbm>> -> memref<5120xf32, #tpu.memory_space<hbm>>
    %dma_wait3A_82 = arith.constant 0 : i32
    %dma_wait3A_83 = tpu.memref_slice %arg6[%dma_wait3A_72, %dma_wait3A_82] : memref<9x5120xf32, #tpu.memory_space<vmem>> -> memref<1x5120xf32, #tpu.memory_space<vmem>>
    %dma_wait3A_84 = tpu.memref_squeeze %dma_wait3A_83 : memref<1x5120xf32, #tpu.memory_space<vmem>> -> memref<5120xf32, #tpu.memory_space<vmem>>
    tpu.wait_dma2 semaphore(%arg11 : memref<!tpu.dma_semaphore, #tpu.memory_space<semaphore_mem>>) src(%dma_wait3A_84 : memref<5120xf32, #tpu.memory_space<vmem>>) dst(%dma_wait3A_81 : memref<5120xf32, #tpu.memory_space<hbm>>)
    %add3A_85 = arith.constant 501 : i32
    %add3A_86 = arith.addi %mul3A_2, %add3A_85 : i32
    %dma_wait3A_87 = arith.constant 0 : i32
    %dma_wait3A_88 = arith.constant 0 : i32
    %dma_wait3A_89 = tpu.memref_slice %arg6[%dma_wait3A_87, %dma_wait3A_88] : memref<9x5120xf32, #tpu.memory_space<vmem>> -> memref<1x5120xf32, #tpu.memory_space<vmem>>
    %dma_wait3A_90 = tpu.memref_squeeze %dma_wait3A_89 : memref<1x5120xf32, #tpu.memory_space<vmem>> -> memref<5120xf32, #tpu.memory_space<vmem>>
    %dma_wait3A_91 = arith.constant 0 : i32
    %dma_wait3A_92 = tpu.memref_slice %arg4[%add3A_86, %dma_wait3A_91] : memref<16384x5120xf32, #tpu.memory_space<hbm>> -> memref<1x5120xf32, #tpu.memory_space<hbm>>
    %dma_wait3A_93 = tpu.memref_squeeze %dma_wait3A_92 : memref<1x5120xf32, #tpu.memory_space<hbm>> -> memref<5120xf32, #tpu.memory_space<hbm>>
    %dma_wait3A_94 = arith.constant 0 : i32
    %dma_wait3A_95 = tpu.memref_slice %arg4[%add3A_86, %dma_wait3A_94] : memref<16384x5120xf32, #tpu.memory_space<hbm>> -> memref<1x5120xf32, #tpu.memory_space<hbm>>
    %dma_wait3A_96 = tpu.memref_squeeze %dma_wait3A_95 : memref<1x5120xf32, #tpu.memory_space<hbm>> -> memref<5120xf32, #tpu.memory_space<hbm>>
    %dma_wait3A_97 = arith.constant 0 : i32
    %dma_wait3A_98 = tpu.memref_slice %arg6[%dma_wait3A_87, %dma_wait3A_97] : memref<9x5120xf32, #tpu.memory_space<vmem>> -> memref<1x5120xf32, #tpu.memory_space<vmem>>
    %dma_wait3A_99 = tpu.memref_squeeze %dma_wait3A_98 : memref<1x5120xf32, #tpu.memory_space<vmem>> -> memref<5120xf32, #tpu.memory_space<vmem>>
    tpu.wait_dma2 semaphore(%arg12 : memref<!tpu.dma_semaphore, #tpu.memory_space<semaphore_mem>>) src(%dma_wait3A_99 : memref<5120xf32, #tpu.memory_space<vmem>>) dst(%dma_wait3A_96 : memref<5120xf32, #tpu.memory_space<hbm>>)
    %add3A_100 = arith.constant 502 : i32
    %add3A_101 = arith.addi %mul3A_2, %add3A_100 : i32
    %dma_wait3A_102 = arith.constant 0 : i32
    %dma_wait3A_103 = arith.constant 0 : i32
    %dma_wait3A_104 = tpu.memref_slice %arg6[%dma_wait3A_102, %dma_wait3A_103] : memref<9x5120xf32, #tpu.memory_space<vmem>> -> memref<1x5120xf32, #tpu.memory_space<vmem>>
    %dma_wait3A_105 = tpu.memref_squeeze %dma_wait3A_104 : memref<1x5120xf32, #tpu.memory_space<vmem>> -> memref<5120xf32, #tpu.memory_space<vmem>>
    %dma_wait3A_106 = arith.constant 0 : i32
    %dma_wait3A_107 = tpu.memref_slice %arg4[%add3A_101, %dma_wait3A_106] : memref<16384x5120xf32, #tpu.memory_space<hbm>> -> memref<1x5120xf32, #tpu.memory_space<hbm>>
    %dma_wait3A_108 = tpu.memref_squeeze %dma_wait3A_107 : memref<1x5120xf32, #tpu.memory_space<hbm>> -> memref<5120xf32, #tpu.memory_space<hbm>>
    %dma_wait3A_109 = arith.constant 0 : i32
    %dma_wait3A_110 = tpu.memref_slice %arg4[%add3A_101, %dma_wait3A_109] : memref<16384x5120xf32, #tpu.memory_space<hbm>> -> memref<1x5120xf32, #tpu.memory_space<hbm>>
    %dma_wait3A_111 = tpu.memref_squeeze %dma_wait3A_110 : memref<1x5120xf32, #tpu.memory_space<hbm>> -> memref<5120xf32, #tpu.memory_space<hbm>>
    %dma_wait3A_112 = arith.constant 0 : i32
    %dma_wait3A_113 = tpu.memref_slice %arg6[%dma_wait3A_102, %dma_wait3A_112] : memref<9x5120xf32, #tpu.memory_space<vmem>> -> memref<1x5120xf32, #tpu.memory_space<vmem>>
    %dma_wait3A_114 = tpu.memref_squeeze %dma_wait3A_113 : memref<1x5120xf32, #tpu.memory_space<vmem>> -> memref<5120xf32, #tpu.memory_space<vmem>>
    tpu.wait_dma2 semaphore(%arg13 : memref<!tpu.dma_semaphore, #tpu.memory_space<semaphore_mem>>) src(%dma_wait3A_114 : memref<5120xf32, #tpu.memory_space<vmem>>) dst(%dma_wait3A_111 : memref<5120xf32, #tpu.memory_space<hbm>>)
    %add3A_115 = arith.constant 503 : i32
    %add3A_116 = arith.addi %mul3A_2, %add3A_115 : i32
    %dma_wait3A_117 = arith.constant 0 : i32
    %dma_wait3A_118 = arith.constant 0 : i32
    %dma_wait3A_119 = tpu.memref_slice %arg6[%dma_wait3A_117, %dma_wait3A_118] : memref<9x5120xf32, #tpu.memory_space<vmem>> -> memref<1x5120xf32, #tpu.memory_space<vmem>>
    %dma_wait3A_120 = tpu.memref_squeeze %dma_wait3A_119 : memref<1x5120xf32, #tpu.memory_space<vmem>> -> memref<5120xf32, #tpu.memory_space<vmem>>
    %dma_wait3A_121 = arith.constant 0 : i32
    %dma_wait3A_122 = tpu.memref_slice %arg4[%add3A_116, %dma_wait3A_121] : memref<16384x5120xf32, #tpu.memory_space<hbm>> -> memref<1x5120xf32, #tpu.memory_space<hbm>>
    %dma_wait3A_123 = tpu.memref_squeeze %dma_wait3A_122 : memref<1x5120xf32, #tpu.memory_space<hbm>> -> memref<5120xf32, #tpu.memory_space<hbm>>
    %dma_wait3A_124 = arith.constant 0 : i32
    %dma_wait3A_125 = tpu.memref_slice %arg4[%add3A_116, %dma_wait3A_124] : memref<16384x5120xf32, #tpu.memory_space<hbm>> -> memref<1x5120xf32, #tpu.memory_space<hbm>>
    %dma_wait3A_126 = tpu.memref_squeeze %dma_wait3A_125 : memref<1x5120xf32, #tpu.memory_space<hbm>> -> memref<5120xf32, #tpu.memory_space<hbm>>
    %dma_wait3A_127 = arith.constant 0 : i32
    %dma_wait3A_128 = tpu.memref_slice %arg6[%dma_wait3A_117, %dma_wait3A_127] : memref<9x5120xf32, #tpu.memory_space<vmem>> -> memref<1x5120xf32, #tpu.memory_space<vmem>>
    %dma_wait3A_129 = tpu.memref_squeeze %dma_wait3A_128 : memref<1x5120xf32, #tpu.memory_space<vmem>> -> memref<5120xf32, #tpu.memory_space<vmem>>
    tpu.wait_dma2 semaphore(%arg14 : memref<!tpu.dma_semaphore, #tpu.memory_space<semaphore_mem>>) src(%dma_wait3A_129 : memref<5120xf32, #tpu.memory_space<vmem>>) dst(%dma_wait3A_126 : memref<5120xf32, #tpu.memory_space<hbm>>)
    %add3A_130 = arith.constant 504 : i32
    %add3A_131 = arith.addi %mul3A_2, %add3A_130 : i32
    %dma_wait3A_132 = arith.constant 0 : i32
    %dma_wait3A_133 = arith.constant 0 : i32
    %dma_wait3A_134 = tpu.memref_slice %arg6[%dma_wait3A_132, %dma_wait3A_133] : memref<9x5120xf32, #tpu.memory_space<vmem>> -> memref<1x5120xf32, #tpu.memory_space<vmem>>
    %dma_wait3A_135 = tpu.memref_squeeze %dma_wait3A_134 : memref<1x5120xf32, #tpu.memory_space<vmem>> -> memref<5120xf32, #tpu.memory_space<vmem>>
    %dma_wait3A_136 = arith.constant 0 : i32
    %dma_wait3A_137 = tpu.memref_slice %arg4[%add3A_131, %dma_wait3A_136] : memref<16384x5120xf32, #tpu.memory_space<hbm>> -> memref<1x5120xf32, #tpu.memory_space<hbm>>
    %dma_wait3A_138 = tpu.memref_squeeze %dma_wait3A_137 : memref<1x5120xf32, #tpu.memory_space<hbm>> -> memref<5120xf32, #tpu.memory_space<hbm>>
    %dma_wait3A_139 = arith.constant 0 : i32
    %dma_wait3A_140 = tpu.memref_slice %arg4[%add3A_131, %dma_wait3A_139] : memref<16384x5120xf32, #tpu.memory_space<hbm>> -> memref<1x5120xf32, #tpu.memory_space<hbm>>
    %dma_wait3A_141 = tpu.memref_squeeze %dma_wait3A_140 : memref<1x5120xf32, #tpu.memory_space<hbm>> -> memref<5120xf32, #tpu.memory_space<hbm>>
    %dma_wait3A_142 = arith.constant 0 : i32
    %dma_wait3A_143 = tpu.memref_slice %arg6[%dma_wait3A_132, %dma_wait3A_142] : memref<9x5120xf32, #tpu.memory_space<vmem>> -> memref<1x5120xf32, #tpu.memory_space<vmem>>
    %dma_wait3A_144 = tpu.memref_squeeze %dma_wait3A_143 : memref<1x5120xf32, #tpu.memory_space<vmem>> -> memref<5120xf32, #tpu.memory_space<vmem>>
    tpu.wait_dma2 semaphore(%arg15 : memref<!tpu.dma_semaphore, #tpu.memory_space<semaphore_mem>>) src(%dma_wait3A_144 : memref<5120xf32, #tpu.memory_space<vmem>>) dst(%dma_wait3A_141 : memref<5120xf32, #tpu.memory_space<hbm>>)
    %add3A_145 = arith.constant 505 : i32
    %add3A_146 = arith.addi %mul3A_2, %add3A_145 : i32
    %dma_wait3A_147 = arith.constant 0 : i32
    %dma_wait3A_148 = arith.constant 0 : i32
    %dma_wait3A_149 = tpu.memref_slice %arg6[%dma_wait3A_147, %dma_wait3A_148] : memref<9x5120xf32, #tpu.memory_space<vmem>> -> memref<1x5120xf32, #tpu.memory_space<vmem>>
    %dma_wait3A_150 = tpu.memref_squeeze %dma_wait3A_149 : memref<1x5120xf32, #tpu.memory_space<vmem>> -> memref<5120xf32, #tpu.memory_space<vmem>>
    %dma_wait3A_151 = arith.constant 0 : i32
    %dma_wait3A_152 = tpu.memref_slice %arg4[%add3A_146, %dma_wait3A_151] : memref<16384x5120xf32, #tpu.memory_space<hbm>> -> memref<1x5120xf32, #tpu.memory_space<hbm>>
    %dma_wait3A_153 = tpu.memref_squeeze %dma_wait3A_152 : memref<1x5120xf32, #tpu.memory_space<hbm>> -> memref<5120xf32, #tpu.memory_space<hbm>>
    %dma_wait3A_154 = arith.constant 0 : i32
    %dma_wait3A_155 = tpu.memref_slice %arg4[%add3A_146, %dma_wait3A_154] : memref<16384x5120xf32, #tpu.memory_space<hbm>> -> memref<1x5120xf32, #tpu.memory_space<hbm>>
    %dma_wait3A_156 = tpu.memref_squeeze %dma_wait3A_155 : memref<1x5120xf32, #tpu.memory_space<hbm>> -> memref<5120xf32, #tpu.memory_space<hbm>>
    %dma_wait3A_157 = arith.constant 0 : i32
    %dma_wait3A_158 = tpu.memref_slice %arg6[%dma_wait3A_147, %dma_wait3A_157] : memref<9x5120xf32, #tpu.memory_space<vmem>> -> memref<1x5120xf32, #tpu.memory_space<vmem>>
    %dma_wait3A_159 = tpu.memref_squeeze %dma_wait3A_158 : memref<1x5120xf32, #tpu.memory_space<vmem>> -> memref<5120xf32, #tpu.memory_space<vmem>>
    tpu.wait_dma2 semaphore(%arg16 : memref<!tpu.dma_semaphore, #tpu.memory_space<semaphore_mem>>) src(%dma_wait3A_159 : memref<5120xf32, #tpu.memory_space<vmem>>) dst(%dma_wait3A_156 : memref<5120xf32, #tpu.memory_space<hbm>>)
    %add3A_160 = arith.constant 506 : i32
    %add3A_161 = arith.addi %mul3A_2, %add3A_160 : i32
    %dma_wait3A_162 = arith.constant 0 : i32
    %dma_wait3A_163 = arith.constant 0 : i32
    %dma_wait3A_164 = tpu.memref_slice %arg6[%dma_wait3A_162, %dma_wait3A_163] : memref<9x5120xf32, #tpu.memory_space<vmem>> -> memref<1x5120xf32, #tpu.memory_space<vmem>>
    %dma_wait3A_165 = tpu.memref_squeeze %dma_wait3A_164 : memref<1x5120xf32, #tpu.memory_space<vmem>> -> memref<5120xf32, #tpu.memory_space<vmem>>
    %dma_wait3A_166 = arith.constant 0 : i32
    %dma_wait3A_167 = tpu.memref_slice %arg4[%add3A_161, %dma_wait3A_166] : memref<16384x5120xf32, #tpu.memory_space<hbm>> -> memref<1x5120xf32, #tpu.memory_space<hbm>>
    %dma_wait3A_168 = tpu.memref_squeeze %dma_wait3A_167 : memref<1x5120xf32, #tpu.memory_space<hbm>> -> memref<5120xf32, #tpu.memory_space<hbm>>
    %dma_wait3A_169 = arith.constant 0 : i32
    %dma_wait3A_170 = tpu.memref_slice %arg4[%add3A_161, %dma_wait3A_169] : memref<16384x5120xf32, #tpu.memory_space<hbm>> -> memref<1x5120xf32, #tpu.memory_space<hbm>>
    %dma_wait3A_171 = tpu.memref_squeeze %dma_wait3A_170 : memref<1x5120xf32, #tpu.memory_space<hbm>> -> memref<5120xf32, #tpu.memory_space<hbm>>
    %dma_wait3A_172 = arith.constant 0 : i32
    %dma_wait3A_173 = tpu.memref_slice %arg6[%dma_wait3A_162, %dma_wait3A_172] : memref<9x5120xf32, #tpu.memory_space<vmem>> -> memref<1x5120xf32, #tpu.memory_space<vmem>>
    %dma_wait3A_174 = tpu.memref_squeeze %dma_wait3A_173 : memref<1x5120xf32, #tpu.memory_space<vmem>> -> memref<5120xf32, #tpu.memory_space<vmem>>
    tpu.wait_dma2 semaphore(%arg17 : memref<!tpu.dma_semaphore, #tpu.memory_space<semaphore_mem>>) src(%dma_wait3A_174 : memref<5120xf32, #tpu.memory_space<vmem>>) dst(%dma_wait3A_171 : memref<5120xf32, #tpu.memory_space<hbm>>)
    %add3A_175 = arith.constant 507 : i32
    %add3A_176 = arith.addi %mul3A_2, %add3A_175 : i32
    %dma_wait3A_177 = arith.constant 0 : i32
    %dma_wait3A_178 = arith.constant 0 : i32
    %dma_wait3A_179 = tpu.memref_slice %arg6[%dma_wait3A_177, %dma_wait3A_178] : memref<9x5120xf32, #tpu.memory_space<vmem>> -> memref<1x5120xf32, #tpu.memory_space<vmem>>
    %dma_wait3A_180 = tpu.memref_squeeze %dma_wait3A_179 : memref<1x5120xf32, #tpu.memory_space<vmem>> -> memref<5120xf32, #tpu.memory_space<vmem>>
    %dma_wait3A_181 = arith.constant 0 : i32
    %dma_wait3A_182 = tpu.memref_slice %arg4[%add3A_176, %dma_wait3A_181] : memref<16384x5120xf32, #tpu.memory_space<hbm>> -> memref<1x5120xf32, #tpu.memory_space<hbm>>
    %dma_wait3A_183 = tpu.memref_squeeze %dma_wait3A_182 : memref<1x5120xf32, #tpu.memory_space<hbm>> -> memref<5120xf32, #tpu.memory_space<hbm>>
    %dma_wait3A_184 = arith.constant 0 : i32
    %dma_wait3A_185 = tpu.memref_slice %arg4[%add3A_176, %dma_wait3A_184] : memref<16384x5120xf32, #tpu.memory_space<hbm>> -> memref<1x5120xf32, #tpu.memory_space<hbm>>
    %dma_wait3A_186 = tpu.memref_squeeze %dma_wait3A_185 : memref<1x5120xf32, #tpu.memory_space<hbm>> -> memref<5120xf32, #tpu.memory_space<hbm>>
    %dma_wait3A_187 = arith.constant 0 : i32
    %dma_wait3A_188 = tpu.memref_slice %arg6[%dma_wait3A_177, %dma_wait3A_187] : memref<9x5120xf32, #tpu.memory_space<vmem>> -> memref<1x5120xf32, #tpu.memory_space<vmem>>
    %dma_wait3A_189 = tpu.memref_squeeze %dma_wait3A_188 : memref<1x5120xf32, #tpu.memory_space<vmem>> -> memref<5120xf32, #tpu.memory_space<vmem>>
    tpu.wait_dma2 semaphore(%arg18 : memref<!tpu.dma_semaphore, #tpu.memory_space<semaphore_mem>>) src(%dma_wait3A_189 : memref<5120xf32, #tpu.memory_space<vmem>>) dst(%dma_wait3A_186 : memref<5120xf32, #tpu.memory_space<hbm>>)
    %add3A_190 = arith.constant 508 : i32
    %add3A_191 = arith.addi %mul3A_2, %add3A_190 : i32
    %dma_wait3A_192 = arith.constant 0 : i32
    %dma_wait3A_193 = arith.constant 0 : i32
    %dma_wait3A_194 = tpu.memref_slice %arg6[%dma_wait3A_192, %dma_wait3A_193] : memref<9x5120xf32, #tpu.memory_space<vmem>> -> memref<1x5120xf32, #tpu.memory_space<vmem>>
    %dma_wait3A_195 = tpu.memref_squeeze %dma_wait3A_194 : memref<1x5120xf32, #tpu.memory_space<vmem>> -> memref<5120xf32, #tpu.memory_space<vmem>>
    %dma_wait3A_196 = arith.constant 0 : i32
    %dma_wait3A_197 = tpu.memref_slice %arg4[%add3A_191, %dma_wait3A_196] : memref<16384x5120xf32, #tpu.memory_space<hbm>> -> memref<1x5120xf32, #tpu.memory_space<hbm>>
    %dma_wait3A_198 = tpu.memref_squeeze %dma_wait3A_197 : memref<1x5120xf32, #tpu.memory_space<hbm>> -> memref<5120xf32, #tpu.memory_space<hbm>>
    %dma_wait3A_199 = arith.constant 0 : i32
    %dma_wait3A_200 = tpu.memref_slice %arg4[%add3A_191, %dma_wait3A_199] : memref<16384x5120xf32, #tpu.memory_space<hbm>> -> memref<1x5120xf32, #tpu.memory_space<hbm>>
    %dma_wait3A_201 = tpu.memref_squeeze %dma_wait3A_200 : memref<1x5120xf32, #tpu.memory_space<hbm>> -> memref<5120xf32, #tpu.memory_space<hbm>>
    %dma_wait3A_202 = arith.constant 0 : i32
    %dma_wait3A_203 = tpu.memref_slice %arg6[%dma_wait3A_192, %dma_wait3A_202] : memref<9x5120xf32, #tpu.memory_space<vmem>> -> memref<1x5120xf32, #tpu.memory_space<vmem>>
    %dma_wait3A_204 = tpu.memref_squeeze %dma_wait3A_203 : memref<1x5120xf32, #tpu.memory_space<vmem>> -> memref<5120xf32, #tpu.memory_space<vmem>>
    tpu.wait_dma2 semaphore(%arg19 : memref<!tpu.dma_semaphore, #tpu.memory_space<semaphore_mem>>) src(%dma_wait3A_204 : memref<5120xf32, #tpu.memory_space<vmem>>) dst(%dma_wait3A_201 : memref<5120xf32, #tpu.memory_space<hbm>>)
    %add3A_205 = arith.constant 509 : i32
    %add3A_206 = arith.addi %mul3A_2, %add3A_205 : i32
    %dma_wait3A_207 = arith.constant 0 : i32
    %dma_wait3A_208 = arith.constant 0 : i32
    %dma_wait3A_209 = tpu.memref_slice %arg6[%dma_wait3A_207, %dma_wait3A_208] : memref<9x5120xf32, #tpu.memory_space<vmem>> -> memref<1x5120xf32, #tpu.memory_space<vmem>>
    %dma_wait3A_210 = tpu.memref_squeeze %dma_wait3A_209 : memref<1x5120xf32, #tpu.memory_space<vmem>> -> memref<5120xf32, #tpu.memory_space<vmem>>
    %dma_wait3A_211 = arith.constant 0 : i32
    %dma_wait3A_212 = tpu.memref_slice %arg4[%add3A_206, %dma_wait3A_211] : memref<16384x5120xf32, #tpu.memory_space<hbm>> -> memref<1x5120xf32, #tpu.memory_space<hbm>>
    %dma_wait3A_213 = tpu.memref_squeeze %dma_wait3A_212 : memref<1x5120xf32, #tpu.memory_space<hbm>> -> memref<5120xf32, #tpu.memory_space<hbm>>
    %dma_wait3A_214 = arith.constant 0 : i32
    %dma_wait3A_215 = tpu.memref_slice %arg4[%add3A_206, %dma_wait3A_214] : memref<16384x5120xf32, #tpu.memory_space<hbm>> -> memref<1x5120xf32, #tpu.memory_space<hbm>>
    %dma_wait3A_216 = tpu.memref_squeeze %dma_wait3A_215 : memref<1x5120xf32, #tpu.memory_space<hbm>> -> memref<5120xf32, #tpu.memory_space<hbm>>
    %dma_wait3A_217 = arith.constant 0 : i32
    %dma_wait3A_218 = tpu.memref_slice %arg6[%dma_wait3A_207, %dma_wait3A_217] : memref<9x5120xf32, #tpu.memory_space<vmem>> -> memref<1x5120xf32, #tpu.memory_space<vmem>>
    %dma_wait3A_219 = tpu.memref_squeeze %dma_wait3A_218 : memref<1x5120xf32, #tpu.memory_space<vmem>> -> memref<5120xf32, #tpu.memory_space<vmem>>
    tpu.wait_dma2 semaphore(%arg20 : memref<!tpu.dma_semaphore, #tpu.memory_space<semaphore_mem>>) src(%dma_wait3A_219 : memref<5120xf32, #tpu.memory_space<vmem>>) dst(%dma_wait3A_216 : memref<5120xf32, #tpu.memory_space<hbm>>)
    %add3A_220 = arith.constant 510 : i32
    %add3A_221 = arith.addi %mul3A_2, %add3A_220 : i32
    %dma_wait3A_222 = arith.constant 0 : i32
    %dma_wait3A_223 = arith.constant 0 : i32
    %dma_wait3A_224 = tpu.memref_slice %arg6[%dma_wait3A_222, %dma_wait3A_223] : memref<9x5120xf32, #tpu.memory_space<vmem>> -> memref<1x5120xf32, #tpu.memory_space<vmem>>
    %dma_wait3A_225 = tpu.memref_squeeze %dma_wait3A_224 : memref<1x5120xf32, #tpu.memory_space<vmem>> -> memref<5120xf32, #tpu.memory_space<vmem>>
    %dma_wait3A_226 = arith.constant 0 : i32
    %dma_wait3A_227 = tpu.memref_slice %arg4[%add3A_221, %dma_wait3A_226] : memref<16384x5120xf32, #tpu.memory_space<hbm>> -> memref<1x5120xf32, #tpu.memory_space<hbm>>
    %dma_wait3A_228 = tpu.memref_squeeze %dma_wait3A_227 : memref<1x5120xf32, #tpu.memory_space<hbm>> -> memref<5120xf32, #tpu.memory_space<hbm>>
    %dma_wait3A_229 = arith.constant 0 : i32
    %dma_wait3A_230 = tpu.memref_slice %arg4[%add3A_221, %dma_wait3A_229] : memref<16384x5120xf32, #tpu.memory_space<hbm>> -> memref<1x5120xf32, #tpu.memory_space<hbm>>
    %dma_wait3A_231 = tpu.memref_squeeze %dma_wait3A_230 : memref<1x5120xf32, #tpu.memory_space<hbm>> -> memref<5120xf32, #tpu.memory_space<hbm>>
    %dma_wait3A_232 = arith.constant 0 : i32
    %dma_wait3A_233 = tpu.memref_slice %arg6[%dma_wait3A_222, %dma_wait3A_232] : memref<9x5120xf32, #tpu.memory_space<vmem>> -> memref<1x5120xf32, #tpu.memory_space<vmem>>
    %dma_wait3A_234 = tpu.memref_squeeze %dma_wait3A_233 : memref<1x5120xf32, #tpu.memory_space<vmem>> -> memref<5120xf32, #tpu.memory_space<vmem>>
    tpu.wait_dma2 semaphore(%arg21 : memref<!tpu.dma_semaphore, #tpu.memory_space<semaphore_mem>>) src(%dma_wait3A_234 : memref<5120xf32, #tpu.memory_space<vmem>>) dst(%dma_wait3A_231 : memref<5120xf32, #tpu.memory_space<hbm>>)
    %add3A_235 = arith.constant 511 : i32
    %add3A_236 = arith.addi %mul3A_2, %add3A_235 : i32
    %dma_wait3A_237 = arith.constant 0 : i32
    %dma_wait3A_238 = arith.constant 0 : i32
    %dma_wait3A_239 = tpu.memref_slice %arg6[%dma_wait3A_237, %dma_wait3A_238] : memref<9x5120xf32, #tpu.memory_space<vmem>> -> memref<1x5120xf32, #tpu.memory_space<vmem>>
    %dma_wait3A_240 = tpu.memref_squeeze %dma_wait3A_239 : memref<1x5120xf32, #tpu.memory_space<vmem>> -> memref<5120xf32, #tpu.memory_space<vmem>>
    %dma_wait3A_241 = arith.constant 0 : i32
    %dma_wait3A_242 = tpu.memref_slice %arg4[%add3A_236, %dma_wait3A_241] : memref<16384x5120xf32, #tpu.memory_space<hbm>> -> memref<1x5120xf32, #tpu.memory_space<hbm>>
    %dma_wait3A_243 = tpu.memref_squeeze %dma_wait3A_242 : memref<1x5120xf32, #tpu.memory_space<hbm>> -> memref<5120xf32, #tpu.memory_space<hbm>>
    %dma_wait3A_244 = arith.constant 0 : i32
    %dma_wait3A_245 = tpu.memref_slice %arg4[%add3A_236, %dma_wait3A_244] : memref<16384x5120xf32, #tpu.memory_space<hbm>> -> memref<1x5120xf32, #tpu.memory_space<hbm>>
    %dma_wait3A_246 = tpu.memref_squeeze %dma_wait3A_245 : memref<1x5120xf32, #tpu.memory_space<hbm>> -> memref<5120xf32, #tpu.memory_space<hbm>>
    %dma_wait3A_247 = arith.constant 0 : i32
    %dma_wait3A_248 = tpu.memref_slice %arg6[%dma_wait3A_237, %dma_wait3A_247] : memref<9x5120xf32, #tpu.memory_space<vmem>> -> memref<1x5120xf32, #tpu.memory_space<vmem>>
    %dma_wait3A_249 = tpu.memref_squeeze %dma_wait3A_248 : memref<1x5120xf32, #tpu.memory_space<vmem>> -> memref<5120xf32, #tpu.memory_space<vmem>>
    tpu.wait_dma2 semaphore(%arg22 : memref<!tpu.dma_semaphore, #tpu.memory_space<semaphore_mem>>) src(%dma_wait3A_249 : memref<5120xf32, #tpu.memory_space<vmem>>) dst(%dma_wait3A_246 : memref<5120xf32, #tpu.memory_space<hbm>>)
    return
  }
}

</mosaic_0001>

<sc_bundles>
// kernel: kernel.3.cloned.1.call-start
scs
__scs_entry_jumppad:
0x0: {  	(pc) =	sbr.rel $0x88, $3  }
0x1: {  	(tag) =	ssettag $0x0;
	lr =	simm.s32 $0x1  }
0x2: {  	[smem:$0x3F9F] =	sst lr;
	_ =	strace $0xD0000000  }
0x3: {  	_ = 	snop  }
0x4: {  	_ = 	snop  }
0x5: {  	_ = 	snop  }
0x6: {  	_ = 	snop  }
0x7: {  	_ = 	snop  }
__scs_overlays_trampoline_lowered:
0x8: {  	[smem:$0x3FAE] =	sst s0  }
0x9: {  	[smem:$0x3FAF] =	sst s1  }
0xa: {  	[smem:$0x3FB0] =	sst s2  }
0xb: {  	[smem:$0x3FB1] =	sst s3  }
0xc: {  	[smem:$0x3FB2] =	sst s4  }
0xd: {  	[smem:$0x3FB3] =	sst s5  }
0xe: {  	[smem:$0x3FB4] =	sst s6  }
0xf: {  	[smem:$0x3FB5] =	sst s7  }
0x10: {  	[smem:$0x3FB6] =	sst s8  }
0x11: {  	[smem:$0x3FB7] =	sst s9;
	s0 =	simm.s32 @!p0 $0x0  }
0x12: {  	s1 =	sld [smem:$0x3F9D];
	s0 =	simm.s32 @p0 $0x1  }
0x13: {  	[smem:$0x3FB8] =	sst s0;
	s0 =	simm.s32 @!p1 $0x0  }
0x14: {  	s2 =	sld [smem:$0x3F9C];
	s0 =	simm.s32 @p1 $0x1  }
0x15: {  	[smem:$0x3FB9] =	sst s0;
	s0 =	simm.s32 @!p2 $0x0  }
0x16: {  	s3 =	sld [smem:$0x3FDB];
	s0 =	simm.s32 @p2 $0x1  }
0x17: {  	s4 =	simm.s32 $0x1BF5;
	[smem:$0x3FBB] =	sst s0  }
0x18: {  	s0 =	sld [smem:$0x3F9E];
	_ =	swait.ge [sflag:s4], $0x0  }
0x19: {  	s7 =	sld [smem:$0x3F9F]  }
0x1a: {  	s8 =	sadd.s32 $0xFFFFE003, lr  }
0x1b: {  	s9 =	sadd.s32 $0xFFFFFEF7, lr;
	s5 =	simm.s32 $0xFFFFFFFF;
	p2 =	slt.u32 s8, $0xFFFFF086  }
0x1c: {  	p1 =	slt.u32 s9, $0xF7A;
	s5 =	simm.s32 @!p2 $0x0  }
0x1d: {  	s5 =	simm.s32 @p1 $0x1;
	p0 =	seq.s32 s7, s2  }
0x1e: {  	s7 =	smul.u32 @!p0 $0xF7A, s2;
	p2 =	seq.s32 @!p0 s5, $0x0  }
0x1f: {  	s9 =	smul.u32 $0xF7A, s1;
	s8 =	simm.s32 @!p0 $0x1BF5;
	p2 =	por !p2, p0  }
0x20: {  	[sflag:s8] =	ssyncset.s32 @!p0 $0xFFFFF086;
	s6 =	sadd.s32 @!p0 s3, s7;
	s7 =	simm.s32 @!p0 $0x108  }
0x21: {  	s3 =	sadd.s32 s3, s9;
	s6 =	sadd.s32 @!p0 $0x88, s6;
	s7 =	simm.s32 @p2 $0x1082  }
0x22: {  	[simem:s7], [sflag:s8] =	dma.local @!p0 [hbm:s6], $0xF7A  }
0x23: {  	s9 =	sor.u32 $0xD0000000, s2;
	s6 =	simm.s32 $0x108;
	_ =	swait.ge @!p0 [sflag:s8], $0x0  }
0x24: {  	s3 =	sadd.s32 $0x88, s3;
	s6 =	simm.s32 @!p1 $0x1082;
	[sflag:s4] =	ssyncset.s32 $0xFFFFF086  }
0x25: {  	[simem:s6], [sflag:s4] =	dma.local [hbm:s3], $0xF7A  }
0x26: {  	[smem:$0x3F9F] =	sst s1;
	(tag) =	ssettag s2;
	_ =	strace s9  }
0x27: {  	s1 =	sld [smem:$0x3FAF]  }
0x28: {  	s2 =	sld [smem:$0x3FB0]  }
0x29: {  	s4 =	sld [smem:$0x3FB2]  }
0x2a: {  	p0 =	seq.s32 s5, $0x0;
	s5 =	sld [smem:$0x3FB3]  }
0x2b: {  	s6 =	sld [smem:$0x3FB4]  }
0x2c: {  	s7 =	sld [smem:$0x3FB5]  }
0x2d: {  	s3 =	simm.s32 $0x108;
	s8 =	sld [smem:$0x3FB6]  }
0x2e: {  	s3 =	simm.s32 @!p0 $0x1082;
	s9 =	sld [smem:$0x3FB7]  }
0x2f: {  	lr =	sadd.s32 s0, s3;
	s0 =	sld [smem:$0x3FAE]  }
0x30: {  	s3 =	sld [smem:$0x3FB1]  }
0x31: {  	[smem:$0x3FBA] =	sst s10  }
0x32: {  	s10 =	sld [smem:$0x3FB8];
	_ =	sdelay $0x3  }
0x33: {  	p0 =	seq.s32 s10, $0x1;
	s10 =	sld [smem:$0x3FBA];
	_ =	sdelay $0x3  }
0x34: {  	[smem:$0x3FBA] =	sst s10  }
0x35: {  	s10 =	sld [smem:$0x3FB9];
	_ =	sdelay $0x3  }
0x36: {  	p1 =	seq.s32 s10, $0x1;
	s10 =	sld [smem:$0x3FBA];
	_ =	sdelay $0x3  }
0x37: {  	[smem:$0x3FBA] =	sst s10  }
0x38: {  	s10 =	sld [smem:$0x3FBB]  }
0x39: {  	_ = 	snop;
	(pc) =	sbr.ind lr, $3  }
0x3a: {  	_ = 	snop  }
0x3b: {  	_ = 	snop  }
0x3c: {  	p2 =	seq.s32 s10, $0x1;
	s10 =	sld [smem:$0x3FBA]  }
0x3d: {  	_ =	shalt  }
0x3e: {  	_ =	shalt  }
0x3f: {  	_ =	shalt  }
0x40: {  	_ =	shalt  }
0x41: {  	_ =	shalt  }
0x42: {  	_ =	shalt  }
0x43: {  	_ =	shalt  }
0x44: {  	_ =	shalt  }
0x45: {  	_ =	shalt  }
0x46: {  	_ =	shalt  }
0x47: {  	_ =	shalt  }
0x48: {  	_ =	shalt  }
0x49: {  	_ =	shalt  }
0x4a: {  	_ =	shalt  }
0x4b: {  	_ =	shalt  }
0x4c: {  	_ =	shalt  }
0x4d: {  	_ =	shalt  }
0x4e: {  	_ =	shalt  }
0x4f: {  	_ =	shalt  }
0x50: {  	_ =	shalt  }
0x51: {  	_ =	shalt  }
0x52: {  	_ =	shalt  }
0x53: {  	_ =	shalt  }
0x54: {  	_ =	shalt  }
0x55: {  	_ =	shalt  }
0x56: {  	_ =	shalt  }
0x57: {  	_ =	shalt  }
0x58: {  	_ =	shalt  }
0x59: {  	_ =	shalt  }
0x5a: {  	_ =	shalt  }
0x5b: {  	_ =	shalt  }
0x5c: {  	_ =	shalt  }
0x5d: {  	_ =	shalt  }
0x5e: {  	_ =	shalt  }
0x5f: {  	_ =	shalt  }
0x60: {  	_ =	shalt  }
0x61: {  	_ =	shalt  }
0x62: {  	_ =	shalt  }
0x63: {  	_ =	shalt  }
0x64: {  	_ =	shalt  }
0x65: {  	_ =	shalt  }
0x66: {  	_ =	shalt  }
0x67: {  	_ =	shalt  }
0x68: {  	_ =	shalt  }
0x69: {  	_ =	shalt  }
0x6a: {  	_ =	shalt  }
0x6b: {  	_ =	shalt  }
0x6c: {  	_ =	shalt  }
0x6d: {  	_ =	shalt  }
0x6e: {  	_ =	shalt  }
0x6f: {  	_ =	shalt  }
0x70: {  	_ =	shalt  }
0x71: {  	_ =	shalt  }
0x72: {  	_ =	shalt  }
0x73: {  	_ =	shalt  }
0x74: {  	_ =	shalt  }
0x75: {  	_ =	shalt  }
0x76: {  	_ =	shalt  }
0x77: {  	_ =	shalt  }
0x78: {  	_ =	shalt  }
0x79: {  	_ =	shalt  }
0x7a: {  	_ =	shalt  }
0x7b: {  	_ =	shalt  }
0x7c: {  	_ =	shalt  }
0x7d: {  	_ =	shalt  }
0x7e: {  	_ =	shalt  }
0x7f: {  	_ =	shalt  }
0x80: {  	_ =	shalt  }
0x81: {  	_ =	shalt  }
0x82: {  	_ =	shalt  }
0x83: {  	_ =	shalt  }
0x84: {  	_ =	shalt  }
0x85: {  	_ =	shalt  }
0x86: {  	_ =	shalt  }
0x87: {  	_ =	shalt  }
.Lfunc_end0:
.L_simem_size_0:
called_computation_lowered:
.L_overlay_start_0:
0x88: {  	s2 =	sld [smem:$0x3FD9]  }
0x89: {  	s3 =	sld [smem:$0x3FFE];
	_ =	sdelay $0x1  }
0x8a: {  	s1 =	srdreg.scid  }
0x8b: {  	s0 =	sand.u32 $0x1, s1  }
0x8c: {  	s18 =	sshll.u32 s0, $0xA;
	s2 =	sadd.s32 s3, s2  }
0x8d: {  	s2 =	sadd.s32 s2, s18  }
0x8e: {  	[smem:$0x3FC6] =	sst s2  }
0x8f: {  	_ = 	snop  }
0x90: {  	s2 =	sld [smem:$0x3FC9]  }
0x91: {  	s19 =	sld [smem:$0x3FC8]  }
0x92: {  	s4 =	sld [smem:$0x3FD0];
	(tm) =	ssettm $0x1  }
0x93: {  	s5 =	sld [smem:$0x3FFB];
	_ =	sdelay $0x3  }
0x94: {  	_ =	strace s5  }
0x95: {  	s5 =	sld [smem:$0x3FFC];
	_ =	sdelay $0x3  }
0x96: {  	_ =	strace s5  }
0x97: {  	s5 =	sld [smem:$0x3FFD];
	_ =	sdelay $0x3  }
0x98: {  	_ =	strace s5  }
0x99: {  	_ =	strace $0x8FFFFFFF  }
0x9a: {  	s20 =	sld [smem:$0x3FDB];
	_ =	sdelay $0x1  }
0x9b: {  	s6 =	simm.s32 $_scs_section_size  }
0x9c: {  	s7 =	simm.s32 $_size__tile_overlayer_lowered;
	s8 =	simm.s32 $_tile_overlayer_lowered  }
0x9d: {  	s23 =	simm.s32 $0x1BFF;
	s22 =	sshll.u32 s8, $0x1;
	s5 =	sadd.s32 s6, s20  }
0x9e: {  	s9 =	simm.s32 $0x0;
	s21 =	sshll.u32 s7, $0x1;
	s7 =	sadd.s32 s22, s5  }
0x9f: {  	[timem:s9], [sflag:s23] =	dma.local [hbm:s7], s21  }
0xa0: {  	_ =	swait.ge [sflag:s23], s21  }
0xa1: {  	s6 =	ssub.s32 $0x0, s21;
	[sflag:s23] =	ssyncset.done $0x0  }
0xa2: {  	[sflag:s23] =	ssyncadd.s32 s6;
	_ =	sdelay $0x1  }
0xa3: {  	s24 =	simm.s32 $0x1B8B  }
0xa4: {  	_ =	swait.ge [sflag:s24], $0x1  }
0xa5: {  	[sflag:s24] =	ssyncset.done $0x0  }
0xa6: {  	s25 =	simm.s32 $0x1B8E;
	[sflag:s24] =	ssyncadd.s32 $0xFFFFFFFF  }
0xa7: {  	s26 =	simm.s32 $execute0_lowered;
	[smem:$0x3FD2] =	sst s25  }
0xa8: {  	s6 =	sshll.u32 s26, $0x1;
	_ =	strace $0x80000046;
	[dreg:$0x1] =	wrdreg $0xFFFFFFFF  }
0xa9: {  	s28 =	simm.s32 $_size_execute0_lowered;
	s5 =	sadd.s32 s5, s6;
	[dreg:$0x0] =	wrdreg $0x0  }
0xaa: {  	s6 =	sshll.u32 s28, $0x1;
	[dreg:$0x2] =	wrdreg s5  }
0xab: {  	[dreg:$0x3] =	wrdreg s6  }
0xac: {  	[dreg:$0x4] =	wrdreg $0xC0  }
0xad: {  	_ =	task [dreg:s9], $0x5FFFF  }
0xae: {  	[dreg:$0x1] =	wrdreg $0xFFFFFFFF  }
0xaf: {  	[dreg:$0x0] =	wrdreg $0x60  }
0xb0: {  	[dreg:$0x2] =	wrdreg s2  }
0xb1: {  	[dreg:$0x3] =	wrdreg s19  }
0xb2: {  	[dreg:$0x4] =	wrdreg s4  }
0xb3: {  	[dreg:$0x5] =	wrdreg $0x9  }
0xb4: {  	_ =	task.clear_ibuf [dreg:s9], $0x6FFFF;
	_ =	strace $0x90000046  }
0xb5: {  	s29 =	simm.s32 $0x9;
	_ =	strace $0x80000048  }
0xb6: {  	_ =	swait.ge [sflag:s29], $0x1  }
0xb7: {  	[sflag:s29] =	ssyncadd.s32 $0xFFFFFFFF  }
0xb8: {  	_ =	strace $0x90000048  }
0xb9: {  	_ =	sfence  }
0xba: {  	s30 =	sld [smem:$0x0];
	_ =	sdelay $0x2  }
0xbb: {  	s31 =	sshll.u32 s1, $0xD;
	s1 =	sshrl.u32 s1, $0x2  }
0xbc: {  	s3 =	sand.u32 $0x4000, s31;
	s1 =	sadd.s32 s1, s30  }
0xbd: {  	s0 =	sor.u32 s3, s0;
	s1 =	sshll.u32 s1, $0x11  }
0xbe: {  	s0 =	sor.u32 s1, s0  }
0xbf: {  	s0 =	sadd.s32 $0x8F2B, s0  }
0xc0: {  	[sflag:s0] =	ssyncadd.remote.s32 $0x1  }
0xc1: {  	_ =	sfence.sel $0xFFFF  }
0xc2: {  	[dreg:$0x0] =	wrdreg $0xFFFFFFFF;
	(pc) =	sbr.abs _section_cstart, $3  }
0xc3: {  	[dreg:$0x1] =	wrdreg $0xFFFFFFFF  }
0xc4: {  	_ =	task.clear_ibuf [dreg:s9], $0x2FFFF;
	_ =	strace $0x9FFFFFFF  }
0xc5: {  	(tm) =	ssettm $0x7FFFFFFF  }
tec
execute0_lowered:
.L_overlay_start_1:
0x0: {  	(tag) =	ssettag $0x1  }
0x1: {  	s0 =	rddreg [dreg:$0x0];
	s1 =	srdreg.scid  }
0x2: {  	s3 =	rddreg [dreg:$0x2];
	s2 =	stileid.u32  }
0x3: {  	s4 =	simm.s32 $0x0;
	s15 =	simm.s32 $0x11;
	s21 =	simm.s32 $0x5  }
0x4: {  	s22 =	simm.s32 $0x6;
	s23 =	simm.s32 $0x7;
	s24 =	simm.s32 $0x8  }
0x5: {  	s28 =	simm.s32 $0xB;
	s29 =	simm.s32 $0xC;
	s30 =	simm.s32 $0xD  }
0x6: {  	s31 =	simm.s32 $0xE;
	s1 =	sand.u32 $0x1, s1;
	s2 =	sshll.u32 s2, $0xA  }
0x7: {  	[smem:$0x7FF] =	sst s4;
	s7 =	sadd.s32 $0x10, s3;
	s8 =	sadd.s32 $0x20, s3  }
0x8: {  	s9 =	sadd.s32 $0x30, s3;
	s10 =	sadd.s32 $0x40, s3;
	s11 =	sadd.s32 $0x50, s3  }
0x9: {  	vm0 =	vmmov $0x1;
	s12 =	sadd.s32 $0x60, s3;
	s13 =	sadd.s32 $0x70, s3;
	s5 =	sshll.u32 s1, $0x9  }
0xa: {  	vm1 =	vcmask $0x308;
	vm2 =	vcmask $0x70C;
	vm3 =	vcmask $0xB10;
	s1 =	ssub.s32 $0x2, s1;
	_ =	strace $0x80000047;
	s5 =	sor.u32 s5, s2  }
0xb: {  	vm4 =	vcmask $0xF14;
	vm5 =	vcmask $0x1318;
	vm6 =	vcmask $0x171C;
	s25 =	sshrl.u32 s1, $0x1;
	s2 =	simm.s32 $0x0;
	s6 =	sshrl.u32 s5, $0x3  }
0xc: {  	vm7 =	vcmask $0x1B20;
	vm8 =	vcmask $0x1F24;
	vm9 =	vcmask $0x2328;
	s1 =	ssub.s32 s1, s25;
	s25 =	simm.s32 $0x9;
	s0 =	sadd.s32 s0, s6  }
0xd: {  	vm10 =	vcmask $0x272C;
	vm11 =	vcmask $0x2B30;
	vm12 =	vcmask $0x2F34;
	s26 =	smax.u32 s1, $0x1;
	s1 =	simm.s32 $0x10;
	[dreg:$0x4] =	wrdreg s0  }
0xe: {  	vm13 =	vcmask $0x3338;
	vm14 =	vcmask $0x373C;
	vm15 =	vmmov $0x7fff;
	[dreg:$0x5] =	wrdreg s26;
	s26 =	simm.s32 $0xA;
	s0 =	simm.s32 $0xF  }
.LBB2_1:
0xf: {  	s6 =	rddreg [dreg:$0x4]  }
0x10: {  	[tilespmem:s4], [sflag:$0x11] =	stream.linear.gather [hbm4b:s6+s4], $0x200, $0x38;
	[tilespmem:$0x14200] =	vst v63  }
0x11: {  	_ =	swait.ge [sflag:s15], $0x200  }
0x12: {  	[sflag:s15] =	ssyncset.done $0x0  }
0x13: {  	[sflag:s15] =	ssyncadd.s32 $0xFFFFFE00  }
0x14: {  	s14 =	simm.s32 $0x200;
	s20 =	rddreg [dreg:$0x1]  }
0x15: {  	[tilespmem:s14], [sflag:$0x11] =	stream.linear.gather [hbm4b:s20+s4], $0x14000, $0x38;
	[tilespmem:$0x14200] =	vst v63  }
0x16: {  	_ =	swait.ge [sflag:s15], $0x14000  }
0x17: {  	[sflag:s15] =	ssyncset.done $0x0  }
0x18: {  	s16 =	simm.s32 $0x0;
	[sflag:s15] =	ssyncadd.s32 $0xFFFEC000  }
.LBB2_2:
0x19: {  	s6 =	sshll.u32 s16, $0x4  }
0x1a: {  	v0 =	vld [tilespmem:s6+$0x0];
	_ =	sdelay $0x4  }
0x1b: {  	v1 =	vnsel vm0, $0x0, v0  }
0x1c: {  	(xrf0) =	vadd.scan.msk.s32 $0xffff, v1;
	_ =	sdelay $0x5  }
0x1d: {  	v1, _, _ =	vpop (xrf0)  }
0x1e: {  	(v2sf) =	vpush v1, $0xF;
	_ =	sdelay $0xe  }
0x1f: {  	s14 =	spop (v2sf)  }
0x20: {  	s6 =	sor.u32 s5, s6;
	s17 =	sshrl.u32 s14, $0x3  }
0x21: {  	p0 =	seq.s32 s16, $0x0;
	s6 =	sshrl.u32 s6, $0x3;
	s17 =	smul.u32 $0x28000, s17  }
0x22: {  	s18 =	simm.s32 @!p0 $0x1;
	s6 =	smul.u32 $0x1400, s6;
	s14 =	sshll.u32 s14, $0x7  }
0x23: {  	_ =	swait.ge @!p0 [sflag:s18], $0x1400;
	s14 =	sand.u32 $0x380, s14;
	s17 =	sshra.s32 s17, $0x2  }
0x24: {  	[sflag:s18] =	ssyncset.done @!p0 $0x0;
	s14 =	sor.u32 s14, s17  }
0x25: {  	[sflag:s18] =	ssyncadd.s32 @!p0 $0xFFFFEC00;
	s17 =	sadd.s32 s3, s6;
	s14 =	sadd.s32 $0x200, s14  }
0x26: {  	s18 =	simm.s32 $0x80;
	s20 =	sadd.s32 $0x0, s17;
	s19 =	sadd.s32 $0x400, s14  }
.LBB2_3:
0x27: {  	[hbm4b:s20+s4] =	stream.linear.scatter [tilespmem:s14], [sflag:$0x1], $0x80, $0x38;
	[tilespmem:$0x14200] =	vst v63  }
0x28: {  	s20 =	smov.u32 s18;
	s14 =	smov.u32 s19;
	p1 =	sne.s32 s18, $0x1380  }
.Ltmp0:
0x29: {  	s18 =	sadd.s32 $0x80, s18;
	(pc) =	sbr.rel @p1 .LBB2_3-.Ltmp0, $2  }
0x2a: {  	_ =	sdelay $0x2  }
0x2b: {  	s19 =	sadd.s32 $0x400, s19;
	s20 =	sadd.s32 s20, s17  }
0x2c: {  	v1 =	vsel vm1, $0x0, v0  }
0x2d: {  	(xrf0) =	vadd.scan.msk.s32 $0xffff, v1;
	_ =	sdelay $0x5  }
0x2e: {  	v1, _, _ =	vpop (xrf0)  }
0x2f: {  	(v2sf) =	vpush v1, $0xF;
	_ =	sdelay $0xd  }
0x30: {  	[hbm4b:s20+s4] =	stream.linear.scatter [tilespmem:s14], [sflag:$0x1], $0x80, $0x38;
	[tilespmem:$0x14200] =	vst v63  }
0x31: {  	s20 =	spop (v2sf)  }
0x32: {  	s17 =	sshrl.u32 s20, $0x3  }
0x33: {  	s17 =	smul.u32 $0x28000, s17  }
0x34: {  	s18 =	simm.s32 @!p0 $0x2;
	s14 =	sshll.u32 s20, $0x7  }
0x35: {  	_ =	swait.ge @!p0 [sflag:s18], $0x1400;
	s14 =	sand.u32 $0x380, s14;
	s17 =	sshra.s32 s17, $0x2  }
0x36: {  	[sflag:s18] =	ssyncset.done @!p0 $0x0;
	s14 =	sor.u32 s14, s17  }
0x37: {  	[sflag:s18] =	ssyncadd.s32 @!p0 $0xFFFFEC00;
	s17 =	sadd.s32 s6, s7;
	s14 =	sadd.s32 $0x200, s14  }
0x38: {  	s18 =	simm.s32 $0x80;
	s20 =	sadd.s32 $0x0, s17;
	s19 =	sadd.s32 $0x400, s14  }
.LBB2_5:
0x39: {  	[hbm4b:s20+s4] =	stream.linear.scatter [tilespmem:s14], [sflag:$0x2], $0x80, $0x38;
	[tilespmem:$0x14200] =	vst v63  }
0x3a: {  	s20 =	smov.u32 s18;
	s14 =	smov.u32 s19;
	p1 =	sne.s32 s18, $0x1380  }
.Ltmp1:
0x3b: {  	s18 =	sadd.s32 $0x80, s18;
	(pc) =	sbr.rel @p1 .LBB2_5-.Ltmp1, $2  }
0x3c: {  	_ =	sdelay $0x2  }
0x3d: {  	s19 =	sadd.s32 $0x400, s19;
	s20 =	sadd.s32 s20, s17  }
0x3e: {  	v1 =	vsel vm2, $0x0, v0  }
0x3f: {  	(xrf0) =	vadd.scan.msk.s32 $0xffff, v1;
	_ =	sdelay $0x5  }
0x40: {  	v1, _, _ =	vpop (xrf0)  }
0x41: {  	(v2sf) =	vpush v1, $0xF;
	_ =	sdelay $0xd  }
0x42: {  	[hbm4b:s20+s4] =	stream.linear.scatter [tilespmem:s14], [sflag:$0x2], $0x80, $0x38;
	[tilespmem:$0x14200] =	vst v63  }
0x43: {  	s20 =	spop (v2sf)  }
0x44: {  	s17 =	sshrl.u32 s20, $0x3  }
0x45: {  	s17 =	smul.u32 $0x28000, s17  }
0x46: {  	s18 =	simm.s32 @!p0 $0x3;
	s14 =	sshll.u32 s20, $0x7  }
0x47: {  	_ =	swait.ge @!p0 [sflag:s18], $0x1400;
	s14 =	sand.u32 $0x380, s14;
	s17 =	sshra.s32 s17, $0x2  }
0x48: {  	[sflag:s18] =	ssyncset.done @!p0 $0x0;
	s14 =	sor.u32 s14, s17  }
0x49: {  	[sflag:s18] =	ssyncadd.s32 @!p0 $0xFFFFEC00;
	s17 =	sadd.s32 s6, s8;
	s14 =	sadd.s32 $0x200, s14  }
0x4a: {  	s18 =	simm.s32 $0x80;
	s20 =	sadd.s32 $0x0, s17;
	s19 =	sadd.s32 $0x400, s14  }
.LBB2_7:
0x4b: {  	[hbm4b:s20+s4] =	stream.linear.scatter [tilespmem:s14], [sflag:$0x3], $0x80, $0x38;
	[tilespmem:$0x14200] =	vst v63  }
0x4c: {  	s20 =	smov.u32 s18;
	s14 =	smov.u32 s19;
	p1 =	sne.s32 s18, $0x1380  }
.Ltmp2:
0x4d: {  	s18 =	sadd.s32 $0x80, s18;
	(pc) =	sbr.rel @p1 .LBB2_7-.Ltmp2, $2  }
0x4e: {  	_ =	sdelay $0x2  }
0x4f: {  	s19 =	sadd.s32 $0x400, s19;
	s20 =	sadd.s32 s20, s17  }
0x50: {  	v1 =	vsel vm3, $0x0, v0  }
0x51: {  	(xrf0) =	vadd.scan.msk.s32 $0xffff, v1;
	_ =	sdelay $0x5  }
0x52: {  	v1, _, _ =	vpop (xrf0)  }
0x53: {  	(v2sf) =	vpush v1, $0xF;
	_ =	sdelay $0xd  }
0x54: {  	[hbm4b:s20+s4] =	stream.linear.scatter [tilespmem:s14], [sflag:$0x3], $0x80, $0x38;
	[tilespmem:$0x14200] =	vst v63  }
0x55: {  	s20 =	spop (v2sf)  }
0x56: {  	s17 =	sshrl.u32 s20, $0x3  }
0x57: {  	s17 =	smul.u32 $0x28000, s17  }
0x58: {  	s18 =	simm.s32 @!p0 $0x4;
	s14 =	sshll.u32 s20, $0x7  }
0x59: {  	_ =	swait.ge @!p0 [sflag:s18], $0x1400;
	s14 =	sand.u32 $0x380, s14;
	s17 =	sshra.s32 s17, $0x2  }
0x5a: {  	[sflag:s18] =	ssyncset.done @!p0 $0x0;
	s14 =	sor.u32 s14, s17  }
0x5b: {  	[sflag:s18] =	ssyncadd.s32 @!p0 $0xFFFFEC00;
	s17 =	sadd.s32 s6, s9;
	s14 =	sadd.s32 $0x200, s14  }
0x5c: {  	s18 =	simm.s32 $0x80;
	s20 =	sadd.s32 $0x0, s17;
	s19 =	sadd.s32 $0x400, s14  }
.LBB2_9:
0x5d: {  	[hbm4b:s20+s4] =	stream.linear.scatter [tilespmem:s14], [sflag:$0x4], $0x80, $0x38;
	[tilespmem:$0x14200] =	vst v63  }
0x5e: {  	s20 =	smov.u32 s18;
	s14 =	smov.u32 s19;
	p1 =	sne.s32 s18, $0x1380  }
.Ltmp3:
0x5f: {  	s18 =	sadd.s32 $0x80, s18;
	(pc) =	sbr.rel @p1 .LBB2_9-.Ltmp3, $2  }
0x60: {  	_ =	sdelay $0x2  }
0x61: {  	s19 =	sadd.s32 $0x400, s19;
	s20 =	sadd.s32 s20, s17  }
0x62: {  	v1 =	vsel vm4, $0x0, v0  }
0x63: {  	(xrf0) =	vadd.scan.msk.s32 $0xffff, v1;
	_ =	sdelay $0x5  }
0x64: {  	v1, _, _ =	vpop (xrf0)  }
0x65: {  	(v2sf) =	vpush v1, $0xF;
	_ =	sdelay $0xd  }
0x66: {  	[hbm4b:s20+s4] =	stream.linear.scatter [tilespmem:s14], [sflag:$0x4], $0x80, $0x38;
	[tilespmem:$0x14200] =	vst v63  }
0x67: {  	s20 =	spop (v2sf)  }
0x68: {  	s17 =	sshrl.u32 s20, $0x3  }
0x69: {  	s17 =	smul.u32 $0x28000, s17  }
0x6a: {  	s18 =	simm.s32 @!p0 $0x5;
	s14 =	sshll.u32 s20, $0x7  }
0x6b: {  	_ =	swait.ge @!p0 [sflag:s18], $0x1400;
	s14 =	sand.u32 $0x380, s14;
	s17 =	sshra.s32 s17, $0x2  }
0x6c: {  	[sflag:s18] =	ssyncset.done @!p0 $0x0;
	s14 =	sor.u32 s14, s17  }
0x6d: {  	[sflag:s18] =	ssyncadd.s32 @!p0 $0xFFFFEC00;
	s17 =	sadd.s32 s6, s10;
	s14 =	sadd.s32 $0x200, s14  }
0x6e: {  	s18 =	simm.s32 $0x80;
	s20 =	sadd.s32 $0x0, s17;
	s19 =	sadd.s32 $0x400, s14  }
.LBB2_11:
0x6f: {  	[hbm4b:s20+s4] =	stream.linear.scatter [tilespmem:s14], [sflag:$0x5], $0x80, $0x38;
	[tilespmem:$0x14200] =	vst v63  }
0x70: {  	s20 =	smov.u32 s18;
	s14 =	smov.u32 s19;
	p1 =	sne.s32 s18, $0x1380  }
.Ltmp4:
0x71: {  	s18 =	sadd.s32 $0x80, s18;
	(pc) =	sbr.rel @p1 .LBB2_11-.Ltmp4, $2  }
0x72: {  	_ =	sdelay $0x2  }
0x73: {  	s19 =	sadd.s32 $0x400, s19;
	s20 =	sadd.s32 s20, s17  }
0x74: {  	v1 =	vsel vm5, $0x0, v0  }
0x75: {  	(xrf0) =	vadd.scan.msk.s32 $0xffff, v1;
	_ =	sdelay $0x5  }
0x76: {  	v1, _, _ =	vpop (xrf0)  }
0x77: {  	(v2sf) =	vpush v1, $0xF;
	_ =	sdelay $0xd  }
0x78: {  	[hbm4b:s20+s4] =	stream.linear.scatter [tilespmem:s14], [sflag:$0x5], $0x80, $0x38;
	[tilespmem:$0x14200] =	vst v63  }
0x79: {  	s20 =	spop (v2sf)  }
0x7a: {  	s17 =	sshrl.u32 s20, $0x3  }
0x7b: {  	s17 =	smul.u32 $0x28000, s17  }
0x7c: {  	s18 =	simm.s32 @!p0 $0x6;
	s14 =	sshll.u32 s20, $0x7  }
0x7d: {  	_ =	swait.ge @!p0 [sflag:s18], $0x1400;
	s14 =	sand.u32 $0x380, s14;
	s17 =	sshra.s32 s17, $0x2  }
0x7e: {  	[sflag:s18] =	ssyncset.done @!p0 $0x0;
	s14 =	sor.u32 s14, s17  }
0x7f: {  	[sflag:s18] =	ssyncadd.s32 @!p0 $0xFFFFEC00;
	s17 =	sadd.s32 s6, s11;
	s14 =	sadd.s32 $0x200, s14  }
0x80: {  	s18 =	simm.s32 $0x80;
	s20 =	sadd.s32 $0x0, s17;
	s19 =	sadd.s32 $0x400, s14  }
.LBB2_13:
0x81: {  	[hbm4b:s20+s4] =	stream.linear.scatter [tilespmem:s14], [sflag:$0x6], $0x80, $0x38;
	[tilespmem:$0x14200] =	vst v63  }
0x82: {  	s20 =	smov.u32 s18;
	s14 =	smov.u32 s19;
	p1 =	sne.s32 s18, $0x1380  }
.Ltmp5:
0x83: {  	s18 =	sadd.s32 $0x80, s18;
	(pc) =	sbr.rel @p1 .LBB2_13-.Ltmp5, $2  }
0x84: {  	_ =	sdelay $0x2  }
0x85: {  	s19 =	sadd.s32 $0x400, s19;
	s20 =	sadd.s32 s20, s17  }
0x86: {  	v1 =	vsel vm6, $0x0, v0  }
0x87: {  	(xrf0) =	vadd.scan.msk.s32 $0xffff, v1;
	_ =	sdelay $0x5  }
0x88: {  	v1, _, _ =	vpop (xrf0)  }
0x89: {  	(v2sf) =	vpush v1, $0xF;
	_ =	sdelay $0xd  }
0x8a: {  	[hbm4b:s20+s4] =	stream.linear.scatter [tilespmem:s14], [sflag:$0x6], $0x80, $0x38;
	[tilespmem:$0x14200] =	vst v63  }
0x8b: {  	s20 =	spop (v2sf)  }
0x8c: {  	s17 =	sshrl.u32 s20, $0x3  }
0x8d: {  	s17 =	smul.u32 $0x28000, s17  }
0x8e: {  	s18 =	simm.s32 @!p0 $0x7;
	s14 =	sshll.u32 s20, $0x7  }
0x8f: {  	_ =	swait.ge @!p0 [sflag:s18], $0x1400;
	s14 =	sand.u32 $0x380, s14;
	s17 =	sshra.s32 s17, $0x2  }
0x90: {  	[sflag:s18] =	ssyncset.done @!p0 $0x0;
	s14 =	sor.u32 s14, s17  }
0x91: {  	[sflag:s18] =	ssyncadd.s32 @!p0 $0xFFFFEC00;
	s17 =	sadd.s32 s6, s12;
	s14 =	sadd.s32 $0x200, s14  }
0x92: {  	s18 =	simm.s32 $0x80;
	s20 =	sadd.s32 $0x0, s17;
	s19 =	sadd.s32 $0x400, s14  }
.LBB2_15:
0x93: {  	[hbm4b:s20+s4] =	stream.linear.scatter [tilespmem:s14], [sflag:$0x7], $0x80, $0x38;
	[tilespmem:$0x14200] =	vst v63  }
0x94: {  	s20 =	smov.u32 s18;
	s14 =	smov.u32 s19;
	p1 =	sne.s32 s18, $0x1380  }
.Ltmp6:
0x95: {  	s18 =	sadd.s32 $0x80, s18;
	(pc) =	sbr.rel @p1 .LBB2_15-.Ltmp6, $2  }
0x96: {  	_ =	sdelay $0x2  }
0x97: {  	s19 =	sadd.s32 $0x400, s19;
	s20 =	sadd.s32 s20, s17  }
0x98: {  	v1 =	vsel vm7, $0x0, v0  }
0x99: {  	(xrf0) =	vadd.scan.msk.s32 $0xffff, v1;
	_ =	sdelay $0x5  }
0x9a: {  	v1, _, _ =	vpop (xrf0)  }
0x9b: {  	(v2sf) =	vpush v1, $0xF;
	_ =	sdelay $0xd  }
0x9c: {  	[hbm4b:s20+s4] =	stream.linear.scatter [tilespmem:s14], [sflag:$0x7], $0x80, $0x38;
	[tilespmem:$0x14200] =	vst v63  }
0x9d: {  	s20 =	spop (v2sf)  }
0x9e: {  	s17 =	sshrl.u32 s20, $0x3  }
0x9f: {  	s17 =	smul.u32 $0x28000, s17  }
0xa0: {  	s18 =	simm.s32 @!p0 $0x8;
	s14 =	sshll.u32 s20, $0x7  }
0xa1: {  	_ =	swait.ge @!p0 [sflag:s18], $0x1400;
	s14 =	sand.u32 $0x380, s14;
	s17 =	sshra.s32 s17, $0x2  }
0xa2: {  	[sflag:s18] =	ssyncset.done @!p0 $0x0;
	s14 =	sor.u32 s14, s17  }
0xa3: {  	[sflag:s18] =	ssyncadd.s32 @!p0 $0xFFFFEC00;
	s17 =	sadd.s32 s6, s13;
	s14 =	sadd.s32 $0x200, s14  }
0xa4: {  	s18 =	simm.s32 $0x80;
	s20 =	sadd.s32 $0x0, s17;
	s19 =	sadd.s32 $0x400, s14  }
.LBB2_17:
0xa5: {  	[hbm4b:s20+s4] =	stream.linear.scatter [tilespmem:s14], [sflag:$0x8], $0x80, $0x38;
	[tilespmem:$0x14200] =	vst v63  }
0xa6: {  	s20 =	smov.u32 s18;
	s14 =	smov.u32 s19;
	p1 =	sne.s32 s18, $0x1380  }
.Ltmp7:
0xa7: {  	s18 =	sadd.s32 $0x80, s18;
	(pc) =	sbr.rel @p1 .LBB2_17-.Ltmp7, $2  }
0xa8: {  	_ =	sdelay $0x2  }
0xa9: {  	s19 =	sadd.s32 $0x400, s19;
	s20 =	sadd.s32 s20, s17  }
0xaa: {  	v1 =	vsel vm8, $0x0, v0  }
0xab: {  	(xrf0) =	vadd.scan.msk.s32 $0xffff, v1;
	_ =	sdelay $0x5  }
0xac: {  	v1, _, _ =	vpop (xrf0)  }
0xad: {  	(v2sf) =	vpush v1, $0xF;
	_ =	sdelay $0xd  }
0xae: {  	[hbm4b:s20+s4] =	stream.linear.scatter [tilespmem:s14], [sflag:$0x8], $0x80, $0x38;
	[tilespmem:$0x14200] =	vst v63  }
0xaf: {  	s20 =	spop (v2sf)  }
0xb0: {  	s17 =	sshrl.u32 s20, $0x3  }
0xb1: {  	s17 =	smul.u32 $0x28000, s17  }
0xb2: {  	s18 =	simm.s32 @!p0 $0x9;
	s14 =	sshll.u32 s20, $0x7  }
0xb3: {  	_ =	swait.ge @!p0 [sflag:s18], $0x1400;
	s14 =	sand.u32 $0x380, s14;
	s17 =	sshra.s32 s17, $0x2  }
0xb4: {  	s6 =	sadd.s32 $0x1400, s6;
	[sflag:s18] =	ssyncset.done @!p0 $0x0;
	s14 =	sor.u32 s14, s17  }
0xb5: {  	[sflag:s18] =	ssyncadd.s32 @!p0 $0xFFFFEC00;
	s17 =	sadd.s32 s3, s6;
	s14 =	sadd.s32 $0x200, s14  }
0xb6: {  	s18 =	simm.s32 $0x80;
	s20 =	sadd.s32 $0x0, s17;
	s19 =	sadd.s32 $0x400, s14  }
.LBB2_19:
0xb7: {  	[hbm4b:s20+s4] =	stream.linear.scatter [tilespmem:s14], [sflag:$0x9], $0x80, $0x38;
	[tilespmem:$0x14200] =	vst v63  }
0xb8: {  	s20 =	smov.u32 s18;
	s14 =	smov.u32 s19;
	p1 =	sne.s32 s18, $0x1380  }
.Ltmp8:
0xb9: {  	s18 =	sadd.s32 $0x80, s18;
	(pc) =	sbr.rel @p1 .LBB2_19-.Ltmp8, $2  }
0xba: {  	_ =	sdelay $0x2  }
0xbb: {  	s19 =	sadd.s32 $0x400, s19;
	s20 =	sadd.s32 s20, s17  }
0xbc: {  	v1 =	vsel vm9, $0x0, v0  }
0xbd: {  	(xrf0) =	vadd.scan.msk.s32 $0xffff, v1;
	_ =	sdelay $0x5  }
0xbe: {  	v1, _, _ =	vpop (xrf0)  }
0xbf: {  	(v2sf) =	vpush v1, $0xF;
	_ =	sdelay $0xd  }
0xc0: {  	[hbm4b:s20+s4] =	stream.linear.scatter [tilespmem:s14], [sflag:$0x9], $0x80, $0x38;
	[tilespmem:$0x14200] =	vst v63  }
0xc1: {  	s20 =	spop (v2sf)  }
0xc2: {  	s17 =	sshrl.u32 s20, $0x3  }
0xc3: {  	s17 =	smul.u32 $0x28000, s17  }
0xc4: {  	s18 =	simm.s32 @!p0 $0xA;
	s14 =	sshll.u32 s20, $0x7  }
0xc5: {  	_ =	swait.ge @!p0 [sflag:s18], $0x1400;
	s14 =	sand.u32 $0x380, s14;
	s17 =	sshra.s32 s17, $0x2  }
0xc6: {  	[sflag:s18] =	ssyncset.done @!p0 $0x0;
	s14 =	sor.u32 s14, s17  }
0xc7: {  	[sflag:s18] =	ssyncadd.s32 @!p0 $0xFFFFEC00;
	s17 =	sadd.s32 s6, s7;
	s14 =	sadd.s32 $0x200, s14  }
0xc8: {  	s18 =	simm.s32 $0x80;
	s20 =	sadd.s32 $0x0, s17;
	s19 =	sadd.s32 $0x400, s14  }
.LBB2_21:
0xc9: {  	[hbm4b:s20+s4] =	stream.linear.scatter [tilespmem:s14], [sflag:$0xA], $0x80, $0x38;
	[tilespmem:$0x14200] =	vst v63  }
0xca: {  	s20 =	smov.u32 s18;
	s14 =	smov.u32 s19;
	p1 =	sne.s32 s18, $0x1380  }
.Ltmp9:
0xcb: {  	s18 =	sadd.s32 $0x80, s18;
	(pc) =	sbr.rel @p1 .LBB2_21-.Ltmp9, $2  }
0xcc: {  	_ =	sdelay $0x2  }
0xcd: {  	s19 =	sadd.s32 $0x400, s19;
	s20 =	sadd.s32 s20, s17  }
0xce: {  	v1 =	vsel vm10, $0x0, v0  }
0xcf: {  	(xrf0) =	vadd.scan.msk.s32 $0xffff, v1;
	_ =	sdelay $0x5  }
0xd0: {  	v1, _, _ =	vpop (xrf0)  }
0xd1: {  	(v2sf) =	vpush v1, $0xF;
	_ =	sdelay $0xd  }
0xd2: {  	[hbm4b:s20+s4] =	stream.linear.scatter [tilespmem:s14], [sflag:$0xA], $0x80, $0x38;
	[tilespmem:$0x14200] =	vst v63  }
0xd3: {  	s20 =	spop (v2sf)  }
0xd4: {  	s17 =	sshrl.u32 s20, $0x3  }
0xd5: {  	s17 =	smul.u32 $0x28000, s17  }
0xd6: {  	s18 =	simm.s32 @!p0 $0xB;
	s14 =	sshll.u32 s20, $0x7  }
0xd7: {  	_ =	swait.ge @!p0 [sflag:s18], $0x1400;
	s14 =	sand.u32 $0x380, s14;
	s17 =	sshra.s32 s17, $0x2  }
0xd8: {  	[sflag:s18] =	ssyncset.done @!p0 $0x0;
	s14 =	sor.u32 s14, s17  }
0xd9: {  	[sflag:s18] =	ssyncadd.s32 @!p0 $0xFFFFEC00;
	s17 =	sadd.s32 s6, s8;
	s14 =	sadd.s32 $0x200, s14  }
0xda: {  	s18 =	simm.s32 $0x80;
	s20 =	sadd.s32 $0x0, s17;
	s19 =	sadd.s32 $0x400, s14  }
.LBB2_23:
0xdb: {  	[hbm4b:s20+s4] =	stream.linear.scatter [tilespmem:s14], [sflag:$0xB], $0x80, $0x38;
	[tilespmem:$0x14200] =	vst v63  }
0xdc: {  	s20 =	smov.u32 s18;
	s14 =	smov.u32 s19;
	p1 =	sne.s32 s18, $0x1380  }
.Ltmp10:
0xdd: {  	s18 =	sadd.s32 $0x80, s18;
	(pc) =	sbr.rel @p1 .LBB2_23-.Ltmp10, $2  }
0xde: {  	_ =	sdelay $0x2  }
0xdf: {  	s19 =	sadd.s32 $0x400, s19;
	s20 =	sadd.s32 s20, s17  }
0xe0: {  	v1 =	vsel vm11, $0x0, v0  }
0xe1: {  	(xrf0) =	vadd.scan.msk.s32 $0xffff, v1;
	_ =	sdelay $0x5  }
0xe2: {  	v1, _, _ =	vpop (xrf0)  }
0xe3: {  	(v2sf) =	vpush v1, $0xF;
	_ =	sdelay $0xd  }
0xe4: {  	[hbm4b:s20+s4] =	stream.linear.scatter [tilespmem:s14], [sflag:$0xB], $0x80, $0x38;
	[tilespmem:$0x14200] =	vst v63  }
0xe5: {  	s20 =	spop (v2sf)  }
0xe6: {  	s17 =	sshrl.u32 s20, $0x3  }
0xe7: {  	s17 =	smul.u32 $0x28000, s17  }
0xe8: {  	s18 =	simm.s32 @!p0 $0xC;
	s14 =	sshll.u32 s20, $0x7  }
0xe9: {  	_ =	swait.ge @!p0 [sflag:s18], $0x1400;
	s14 =	sand.u32 $0x380, s14;
	s17 =	sshra.s32 s17, $0x2  }
0xea: {  	[sflag:s18] =	ssyncset.done @!p0 $0x0;
	s14 =	sor.u32 s14, s17  }
0xeb: {  	[sflag:s18] =	ssyncadd.s32 @!p0 $0xFFFFEC00;
	s17 =	sadd.s32 s6, s9;
	s14 =	sadd.s32 $0x200, s14  }
0xec: {  	s18 =	simm.s32 $0x80;
	s20 =	sadd.s32 $0x0, s17;
	s19 =	sadd.s32 $0x400, s14  }
.LBB2_25:
0xed: {  	[hbm4b:s20+s4] =	stream.linear.scatter [tilespmem:s14], [sflag:$0xC], $0x80, $0x38;
	[tilespmem:$0x14200] =	vst v63  }
0xee: {  	s20 =	smov.u32 s18;
	s14 =	smov.u32 s19;
	p1 =	sne.s32 s18, $0x1380  }
.Ltmp11:
0xef: {  	s18 =	sadd.s32 $0x80, s18;
	(pc) =	sbr.rel @p1 .LBB2_25-.Ltmp11, $2  }
0xf0: {  	_ =	sdelay $0x2  }
0xf1: {  	s19 =	sadd.s32 $0x400, s19;
	s20 =	sadd.s32 s20, s17  }
0xf2: {  	v1 =	vsel vm12, $0x0, v0  }
0xf3: {  	(xrf0) =	vadd.scan.msk.s32 $0xffff, v1;
	_ =	sdelay $0x5  }
0xf4: {  	v1, _, _ =	vpop (xrf0)  }
0xf5: {  	(v2sf) =	vpush v1, $0xF;
	_ =	sdelay $0xd  }
0xf6: {  	[hbm4b:s20+s4] =	stream.linear.scatter [tilespmem:s14], [sflag:$0xC], $0x80, $0x38;
	[tilespmem:$0x14200] =	vst v63  }
0xf7: {  	s20 =	spop (v2sf)  }
0xf8: {  	s17 =	sshrl.u32 s20, $0x3  }
0xf9: {  	s17 =	smul.u32 $0x28000, s17  }
0xfa: {  	s18 =	simm.s32 @!p0 $0xD;
	s14 =	sshll.u32 s20, $0x7  }
0xfb: {  	_ =	swait.ge @!p0 [sflag:s18], $0x1400;
	s14 =	sand.u32 $0x380, s14;
	s17 =	sshra.s32 s17, $0x2  }
0xfc: {  	[sflag:s18] =	ssyncset.done @!p0 $0x0;
	s14 =	sor.u32 s14, s17  }
0xfd: {  	[sflag:s18] =	ssyncadd.s32 @!p0 $0xFFFFEC00;
	s17 =	sadd.s32 s6, s10;
	s14 =	sadd.s32 $0x200, s14  }
0xfe: {  	s18 =	simm.s32 $0x80;
	s20 =	sadd.s32 $0x0, s17;
	s19 =	sadd.s32 $0x400, s14  }
.LBB2_27:
0xff: {  	[hbm4b:s20+s4] =	stream.linear.scatter [tilespmem:s14], [sflag:$0xD], $0x80, $0x38;
	[tilespmem:$0x14200] =	vst v63  }
0x100: {  	s20 =	smov.u32 s18;
	s14 =	smov.u32 s19;
	p1 =	sne.s32 s18, $0x1380  }
.Ltmp12:
0x101: {  	s18 =	sadd.s32 $0x80, s18;
	(pc) =	sbr.rel @p1 .LBB2_27-.Ltmp12, $2  }
0x102: {  	_ =	sdelay $0x2  }
0x103: {  	s19 =	sadd.s32 $0x400, s19;
	s20 =	sadd.s32 s20, s17  }
0x104: {  	v1 =	vsel vm13, $0x0, v0  }
0x105: {  	(xrf0) =	vadd.scan.msk.s32 $0xffff, v1;
	_ =	sdelay $0x5  }
0x106: {  	v1, _, _ =	vpop (xrf0)  }
0x107: {  	(v2sf) =	vpush v1, $0xF;
	_ =	sdelay $0xd  }
0x108: {  	[hbm4b:s20+s4] =	stream.linear.scatter [tilespmem:s14], [sflag:$0xD], $0x80, $0x38;
	[tilespmem:$0x14200] =	vst v63  }
0x109: {  	s20 =	spop (v2sf)  }
0x10a: {  	s17 =	sshrl.u32 s20, $0x3  }
0x10b: {  	s17 =	smul.u32 $0x28000, s17  }
0x10c: {  	s18 =	simm.s32 @!p0 $0xE;
	s14 =	sshll.u32 s20, $0x7  }
0x10d: {  	_ =	swait.ge @!p0 [sflag:s18], $0x1400;
	s14 =	sand.u32 $0x380, s14;
	s17 =	sshra.s32 s17, $0x2  }
0x10e: {  	[sflag:s18] =	ssyncset.done @!p0 $0x0;
	s14 =	sor.u32 s14, s17  }
0x10f: {  	[sflag:s18] =	ssyncadd.s32 @!p0 $0xFFFFEC00;
	s17 =	sadd.s32 s6, s11;
	s14 =	sadd.s32 $0x200, s14  }
0x110: {  	s18 =	simm.s32 $0x80;
	s20 =	sadd.s32 $0x0, s17;
	s19 =	sadd.s32 $0x400, s14  }
.LBB2_29:
0x111: {  	[hbm4b:s20+s4] =	stream.linear.scatter [tilespmem:s14], [sflag:$0xE], $0x80, $0x38;
	[tilespmem:$0x14200] =	vst v63  }
0x112: {  	s20 =	smov.u32 s18;
	s14 =	smov.u32 s19;
	p1 =	sne.s32 s18, $0x1380  }
.Ltmp13:
0x113: {  	s18 =	sadd.s32 $0x80, s18;
	(pc) =	sbr.rel @p1 .LBB2_29-.Ltmp13, $2  }
0x114: {  	_ =	sdelay $0x2  }
0x115: {  	s19 =	sadd.s32 $0x400, s19;
	s20 =	sadd.s32 s20, s17  }
0x116: {  	v1 =	vsel vm14, $0x0, v0  }
0x117: {  	(xrf0) =	vadd.scan.msk.s32 $0xffff, v1;
	_ =	sdelay $0x5  }
0x118: {  	v1, _, _ =	vpop (xrf0)  }
0x119: {  	(v2sf) =	vpush v1, $0xF;
	_ =	sdelay $0xd  }
0x11a: {  	[hbm4b:s20+s4] =	stream.linear.scatter [tilespmem:s14], [sflag:$0xE], $0x80, $0x38;
	[tilespmem:$0x14200] =	vst v63  }
0x11b: {  	s20 =	spop (v2sf)  }
0x11c: {  	s17 =	sshrl.u32 s20, $0x3  }
0x11d: {  	s17 =	smul.u32 $0x28000, s17  }
0x11e: {  	s18 =	simm.s32 @!p0 $0xF;
	s14 =	sshll.u32 s20, $0x7  }
0x11f: {  	_ =	swait.ge @!p0 [sflag:s18], $0x1400;
	s14 =	sand.u32 $0x380, s14;
	s17 =	sshra.s32 s17, $0x2  }
0x120: {  	[sflag:s18] =	ssyncset.done @!p0 $0x0;
	s14 =	sor.u32 s14, s17  }
0x121: {  	[sflag:s18] =	ssyncadd.s32 @!p0 $0xFFFFEC00;
	s17 =	sadd.s32 s6, s12;
	s14 =	sadd.s32 $0x200, s14  }
0x122: {  	s18 =	simm.s32 $0x80;
	s20 =	sadd.s32 $0x0, s17;
	s19 =	sadd.s32 $0x400, s14  }
.LBB2_31:
0x123: {  	[hbm4b:s20+s4] =	stream.linear.scatter [tilespmem:s14], [sflag:$0xF], $0x80, $0x38;
	[tilespmem:$0x14200] =	vst v63  }
0x124: {  	s20 =	smov.u32 s18;
	s14 =	smov.u32 s19;
	p1 =	sne.s32 s18, $0x1380  }
.Ltmp14:
0x125: {  	s18 =	sadd.s32 $0x80, s18;
	(pc) =	sbr.rel @p1 .LBB2_31-.Ltmp14, $2  }
0x126: {  	_ =	sdelay $0x2  }
0x127: {  	s19 =	sadd.s32 $0x400, s19;
	s20 =	sadd.s32 s20, s17  }
0x128: {  	v0 =	vsel vm15, $0x0, v0  }
0x129: {  	(xrf0) =	vadd.scan.msk.s32 $0xffff, v0;
	_ =	sdelay $0x5  }
0x12a: {  	v0, _, _ =	vpop (xrf0)  }
0x12b: {  	(v2sf) =	vpush v0, $0xF;
	_ =	sdelay $0xd  }
0x12c: {  	[hbm4b:s20+s4] =	stream.linear.scatter [tilespmem:s14], [sflag:$0xF], $0x80, $0x38;
	[tilespmem:$0x14200] =	vst v63  }
0x12d: {  	s20 =	spop (v2sf)  }
0x12e: {  	s17 =	sshrl.u32 s20, $0x3  }
0x12f: {  	s17 =	smul.u32 $0x28000, s17  }
0x130: {  	s14 =	sshll.u32 s20, $0x7  }
0x131: {  	s18 =	simm.s32 @!p0 $0x10;
	s14 =	sand.u32 $0x380, s14;
	s17 =	sshra.s32 s17, $0x2  }
0x132: {  	s6 =	sadd.s32 s6, s13;
	_ =	swait.ge @!p0 [sflag:s18], $0x1400;
	s14 =	sor.u32 s14, s17  }
0x133: {  	s19 =	sadd.s32 $0x0, s6;
	[sflag:s18] =	ssyncset.done @!p0 $0x0;
	s14 =	sadd.s32 $0x200, s14  }
0x134: {  	[sflag:s18] =	ssyncadd.s32 @!p0 $0xFFFFEC00;
	s17 =	simm.s32 $0x80;
	s18 =	sadd.s32 $0x400, s14  }
.LBB2_33:
0x135: {  	[hbm4b:s19+s4] =	stream.linear.scatter [tilespmem:s14], [sflag:$0x10], $0x80, $0x38;
	[tilespmem:$0x14200] =	vst v63  }
0x136: {  	s19 =	smov.u32 s17;
	s14 =	smov.u32 s18;
	p0 =	sne.s32 s17, $0x1380  }
.Ltmp15:
0x137: {  	s17 =	sadd.s32 $0x80, s17;
	(pc) =	sbr.rel @p0 .LBB2_33-.Ltmp15, $2  }
0x138: {  	_ =	sdelay $0x2  }
0x139: {  	s18 =	sadd.s32 $0x400, s18;
	s19 =	sadd.s32 s19, s6  }
0x13a: {  	s16 =	sadd.s32 $0x1, s16  }
0x13b: {  	p0 =	sne.s32 s16, $0x20  }
.Ltmp16:
0x13c: {  	_ = 	snop;
	(pc) =	sbr.rel @p0 .LBB2_2-.Ltmp16, $2  }
0x13d: {  	_ =	sdelay $0x2  }
0x13e: {  	[hbm4b:s19+s4] =	stream.linear.scatter [tilespmem:s14], [sflag:$0x10], $0x80, $0x38;
	[tilespmem:$0x14200] =	vst v63  }
0x13f: {  	s6 =	simm.s32 $0x1  }
0x140: {  	_ =	swait.ge [sflag:s6], $0x1400  }
0x141: {  	[sflag:s6] =	ssyncset.done $0x0  }
0x142: {  	s17 =	simm.s32 $0x2;
	[sflag:s6] =	ssyncadd.s32 $0xFFFFEC00  }
0x143: {  	_ =	swait.ge [sflag:s17], $0x1400  }
0x144: {  	[sflag:s17] =	ssyncset.done $0x0  }
0x145: {  	s18 =	simm.s32 $0x3;
	[sflag:s17] =	ssyncadd.s32 $0xFFFFEC00  }
0x146: {  	_ =	swait.ge [sflag:s18], $0x1400  }
0x147: {  	[sflag:s18] =	ssyncset.done $0x0  }
0x148: {  	s19 =	simm.s32 $0x4;
	[sflag:s18] =	ssyncadd.s32 $0xFFFFEC00  }
0x149: {  	_ =	swait.ge [sflag:s19], $0x1400  }
0x14a: {  	[sflag:s19] =	ssyncset.done $0x0  }
0x14b: {  	[sflag:s19] =	ssyncadd.s32 $0xFFFFEC00  }
0x14c: {  	_ =	swait.ge [sflag:s21], $0x1400  }
0x14d: {  	[sflag:s21] =	ssyncset.done $0x0  }
0x14e: {  	[sflag:s21] =	ssyncadd.s32 $0xFFFFEC00  }
0x14f: {  	_ =	swait.ge [sflag:s22], $0x1400  }
0x150: {  	[sflag:s22] =	ssyncset.done $0x0  }
0x151: {  	[sflag:s22] =	ssyncadd.s32 $0xFFFFEC00  }
0x152: {  	_ =	swait.ge [sflag:s23], $0x1400  }
0x153: {  	[sflag:s23] =	ssyncset.done $0x0  }
0x154: {  	[sflag:s23] =	ssyncadd.s32 $0xFFFFEC00  }
0x155: {  	_ =	swait.ge [sflag:s24], $0x1400  }
0x156: {  	[sflag:s24] =	ssyncset.done $0x0  }
0x157: {  	[sflag:s24] =	ssyncadd.s32 $0xFFFFEC00  }
0x158: {  	_ =	swait.ge [sflag:s25], $0x1400  }
0x159: {  	[sflag:s25] =	ssyncset.done $0x0  }
0x15a: {  	[sflag:s25] =	ssyncadd.s32 $0xFFFFEC00  }
0x15b: {  	_ =	swait.ge [sflag:s26], $0x1400  }
0x15c: {  	[sflag:s26] =	ssyncset.done $0x0  }
0x15d: {  	[sflag:s26] =	ssyncadd.s32 $0xFFFFEC00  }
0x15e: {  	_ =	swait.ge [sflag:s28], $0x1400  }
0x15f: {  	[sflag:s28] =	ssyncset.done $0x0  }
0x160: {  	[sflag:s28] =	ssyncadd.s32 $0xFFFFEC00  }
0x161: {  	_ =	swait.ge [sflag:s29], $0x1400  }
0x162: {  	[sflag:s29] =	ssyncset.done $0x0  }
0x163: {  	[sflag:s29] =	ssyncadd.s32 $0xFFFFEC00  }
0x164: {  	_ =	swait.ge [sflag:s30], $0x1400  }
0x165: {  	[sflag:s30] =	ssyncset.done $0x0  }
0x166: {  	[sflag:s30] =	ssyncadd.s32 $0xFFFFEC00  }
0x167: {  	_ =	swait.ge [sflag:s31], $0x1400  }
0x168: {  	[sflag:s31] =	ssyncset.done $0x0  }
0x169: {  	[sflag:s31] =	ssyncadd.s32 $0xFFFFEC00  }
0x16a: {  	_ =	swait.ge [sflag:s0], $0x1400  }
0x16b: {  	[sflag:s0] =	ssyncset.done $0x0  }
0x16c: {  	[sflag:s0] =	ssyncadd.s32 $0xFFFFEC00  }
0x16d: {  	_ =	swait.ge [sflag:s1], $0x1400  }
0x16e: {  	s2 =	sadd.s32 $0x1, s2;
	s20 =	rddreg [dreg:$0x5]  }
0x16f: {  	p0 =	sne.s32 s2, s20  }
.Ltmp17:
0x170: {  	_ = 	snop;
	(pc) =	sbr.rel @p0 .LBB2_1-.Ltmp17, $3  }
0x171: {  	_ =	sdelay $0x1  }
0x172: {  	[sflag:s1] =	ssyncset.done $0x0  }
0x173: {  	[sflag:s1] =	ssyncadd.s32 $0xFFFFEC00  }
0x174: {  	_ =	sfence.sel $0x180000  }
0x175: {  	[bflag:$0x0] =	sbarrier.arrive $0xFFFF  }
0x176: {  	_ =	strace $0x90000047  }
0x177: {  	s0 =	stileid.u32;
	[bflag:$0x2] =	sbarrier.arrive $0xFFFF  }
0x178: {  	p0 =	sne.s32 s0, $0x0;
	s0 =	rddreg [dreg:$0x3]  }
0x179: {  	s0 =	sadd.s32 @!p0 $0x100000, s0  }
0x17a: {  	[sflag:s0] =	ssyncadd.tile.s32 @!p0 $0x1;
	_ =	shalt  }
.Lfunc_end2:
_tile_overlayer_lowered:
.L_overlay_start_2:
0x17b: {  	(tag) =	ssettag $0x2  }
0x17c: {  	s0 =	rddreg [dreg:$0x0];
	s2 =	stileid.u32  }
0x17d: {  	s1 =	rddreg [dreg:$0x1];
	p0 =	sne.s32 s2, $0x0  }
0x17e: {  	s3 =	rddreg [dreg:$0x2];
	[bflag:$0x3] =	sbarrier.arrive $0xFFFF;
	s2 =	simm.s32 @!p0 $0x1C11  }
0x17f: {  	[timem:s3], [sflag:s2] =	dma.local @!p0 [hbm:s0], s1  }
0x180: {  	s0 =	simm.s32 @!p0 $0x11  }
0x181: {  	_ =	swait.ge @!p0 [sflag:s0], s1  }
0x182: {  	s1 =	ssub.s32 @!p0 $0x0, s1;
	[sflag:s0] =	ssyncset.done @!p0 $0x0  }
0x183: {  	[sflag:s0] =	ssyncadd.s32 @!p0 s1  }
0x184: {  	[bflag:$0x3] =	sbarrier.arrive $0xFFFF  }
0x185: {  	_ =	shalt  }

</sc_bundles>
